<compile_context>
chip_gen: v7x
topology: tpu7x:2x2x1
jax: 0.10.2.dev20260603
libtpu: 0.0.44.dev20260713+nightly
codegen_flags: <defaults>
</compile_context>

<pallas_src>
import functools

import jax
import jax.numpy as jnp
from jax import lax
from jax.experimental import pallas as pl
from jax.experimental.pallas import tpu as pltpu
from jax.experimental.pallas import tpu_sc as plsc

D_MODEL = 2048
MAX_LEN = 8192

NC = 2
NS = 16
NW = NC * NS

CHUNK = 8
NBUF = 4
LOOK = 2


def _gather_body(steps, table_hbm, idx_hbm, out_hbm, idx_v, rows_v, *sems):
    gsems = sems[:NBUF]
    wsems = sems[NBUF:]
    wid = lax.axis_index("s") * NC + lax.axis_index("c")
    base = wid * (steps * CHUNK)

    def gather(t, buf):
        pltpu.async_copy(table_hbm.at[idx_v.at[t]], rows_v.at[buf], gsems[buf])

    def gather_wait(t, buf):
        pltpu.make_async_copy(
            table_hbm.at[idx_v.at[t]], rows_v.at[buf], gsems[buf]
        ).wait()

    def write(t, buf):
        pltpu.async_copy(
            rows_v.at[buf], out_hbm.at[pl.ds(base + t * CHUNK, CHUNK)], wsems[buf]
        )

    def write_wait(t, buf):
        pltpu.make_async_copy(
            rows_v.at[buf], out_hbm.at[pl.ds(base + t * CHUNK, CHUNK)], wsems[buf]
        ).wait()

    pltpu.sync_copy(idx_hbm.at[wid], idx_v)

    for b in range(LOOK):
        gather(b, b)

    @pl.loop(0, steps, step=NBUF)
    def _(g):
        for b in range(NBUF):
            s = g + b
            t = s + LOOK
            tb = (b + LOOK) % NBUF

            @pl.when(t < steps)
            def _():
                @pl.when(t >= NBUF)
                def _():
                    write_wait(t - NBUF, tb)

                gather(t, tb)

            gather_wait(s, b)
            write(s, b)

    for b in range(NBUF):
        s = steps - NBUF + b
        write_wait(s, s % NBUF)


@functools.partial(jax.jit, static_argnums=(2,))
def _sc_gather(table, idx, n):
    steps = n // (NW * CHUNK)
    mesh = plsc.VectorSubcoreMesh(
        core_axis_name="c", subcore_axis_name="s", num_cores=NC, num_subcores=NS
    )
    grid_kernel = pl.kernel(
        functools.partial(_gather_body, steps),
        out_type=jax.ShapeDtypeStruct((n, D_MODEL), jnp.float32),
        mesh=mesh,
        scratch_types=[
            pltpu.VMEM((steps, CHUNK), jnp.int32),
            pltpu.VMEM((NBUF, CHUNK, D_MODEL), jnp.float32),
        ]
        + [pltpu.SemaphoreType.DMA] * (2 * NBUF),
    )
    return grid_kernel(table, idx.reshape(NW, steps, CHUNK))


def kernel(x, pe):
    b, l = x.shape
    n = b * l
    table = pe.reshape(MAX_LEN, D_MODEL)
    idx = x.reshape(-1).astype(jnp.int32)
    out = _sc_gather(table, idx, n)
    return out.reshape(b, l, D_MODEL)

# --- scband reference (transcript-rebuilt; emitter-appended) ---
"""Pipeline reference for scband-positional-embedding-67903432950260 (READ-ONLY COPY).

The authoritative reference and input builder live on the scoring server;
editing this copy changes nothing except your own understanding.
"""

import jax, jax.numpy as jnp
import numpy as np
import math

D_MODEL = 2048
MAX_LEN = 8192
PADD_INDX = 0


def _make_pe():
    position = np.arange(0, MAX_LEN, dtype=np.float32)[:, None]
    div_term = np.exp(np.arange(0, D_MODEL, 2, dtype=np.float32) * -(math.log(10000.0) / D_MODEL))
    pe = np.zeros((MAX_LEN, D_MODEL), dtype=np.float32)
    pe[:, 0::2] = np.sin(position * div_term)
    pe[:, 1::2] = np.cos(position * div_term)
    if PADD_INDX:
        pe[PADD_INDX, :] = 0.0
    return jnp.asarray(pe[None, :, :])  # [1, max_len, d_model]


def setup_inputs(seed: int = 0) -> dict:
    key = jax.random.key(seed)
    x = jax.random.randint(key, (4, 4096), 0, MAX_LEN)
    pe = _make_pe()
    return {"x": x, "pe": pe}


def reference(x, pe):
    # pe: [1, max_len, d_model]; pe[:, x] -> [1, B, L, d_model]; squeeze -> [B, L, d_model]
    return pe[:, x].squeeze()

if __name__ == "__main__":
    import jax
    _d = setup_inputs()
    print(jax.jit(kernel)(*tuple(_d.values())))

</pallas_src>

<mosaic_0001>
#map = affine_map<(d0, d1) -> (0, 0)>
#map1 = affine_map<(d0, d1) -> (0, 0, 0)>
module attributes {stable_mosaic.version = 14 : i64} {
  func.func @_gather_body(%arg0: i32, %arg1: i32, %arg2: memref<8192x2048xf32, #tpu.memory_space<hbm>>, %arg3: memref<32x64x8xi32, #tpu.memory_space<hbm>>, %arg4: memref<16384x2048xf32, #tpu.memory_space<hbm>>, %arg5: memref<64x8xi32, #tpu.memory_space<vmem>>, %arg6: memref<4x8x2048xf32, #tpu.memory_space<vmem>>, %arg7: memref<!tpu.dma_semaphore, #tpu.memory_space<semaphore_mem>>, %arg8: memref<!tpu.dma_semaphore, #tpu.memory_space<semaphore_mem>>, %arg9: memref<!tpu.dma_semaphore, #tpu.memory_space<semaphore_mem>>, %arg10: memref<!tpu.dma_semaphore, #tpu.memory_space<semaphore_mem>>, %arg11: memref<!tpu.dma_semaphore, #tpu.memory_space<semaphore_mem>>, %arg12: memref<!tpu.dma_semaphore, #tpu.memory_space<semaphore_mem>>, %arg13: memref<!tpu.dma_semaphore, #tpu.memory_space<semaphore_mem>>, %arg14: memref<!tpu.dma_semaphore, #tpu.memory_space<semaphore_mem>>) attributes {dimension_semantics = [#tpu.dimension_semantics<core_parallel>, #tpu.dimension_semantics<subcore_parallel>], iteration_bounds = array<i64: 2, 16>, scalar_prefetch = 0 : i64, scratch_operands = 10 : i64, tpu.core_type = #tpu.core_type<sc_vector_subcore>, window_params = [{transform_indices = #map}, {transform_indices = #map1}, {transform_indices = #map}]} {
    %mul3A = arith.constant 2 : i32
    %mul3A_0 = arith.muli %arg1, %mul3A : i32
    %add3A = arith.addi %mul3A_0, %arg0 : i32
    %mul3A_1 = arith.constant 512 : i32
    %mul3A_2 = arith.muli %add3A, %mul3A_1 : i32
    "tpu.region"() ({
      %run_scoped3A = tpu.sem_alloc : memref<!tpu.dma_semaphore, #tpu.memory_space<semaphore_mem>>
      %dma_start3A_89 = arith.constant 0 : i32
      %dma_start3A_90 = arith.constant 0 : i32
      %dma_start3A_91 = tpu.memref_slice %arg3[%add3A, %dma_start3A_89, %dma_start3A_90] : memref<32x64x8xi32, #tpu.memory_space<hbm>> -> memref<1x64x8xi32, #tpu.memory_space<hbm>>
      %dma_start3A_92 = tpu.memref_squeeze %dma_start3A_91 : memref<1x64x8xi32, #tpu.memory_space<hbm>> -> memref<64x8xi32, #tpu.memory_space<hbm>>
      %dma_start3A_93 = arith.constant 0 : i32
      %dma_start3A_94 = arith.constant 0 : i32
      %dma_start3A_95 = tpu.memref_slice %arg3[%add3A, %dma_start3A_93, %dma_start3A_94] : memref<32x64x8xi32, #tpu.memory_space<hbm>> -> memref<1x64x8xi32, #tpu.memory_space<hbm>>
      %dma_start3A_96 = tpu.memref_squeeze %dma_start3A_95 : memref<1x64x8xi32, #tpu.memory_space<hbm>> -> memref<64x8xi32, #tpu.memory_space<hbm>>
      tpu.enqueue_dma source(%dma_start3A_96 : memref<64x8xi32, #tpu.memory_space<hbm>>) target(%arg5 : memref<64x8xi32, #tpu.memory_space<vmem>>) target_semaphore(%run_scoped3A : memref<!tpu.dma_semaphore, #tpu.memory_space<semaphore_mem>>)
      %dma_wait3A_97 = arith.constant 0 : i32
      %dma_wait3A_98 = arith.constant 0 : i32
      %dma_wait3A_99 = tpu.memref_slice %arg3[%add3A, %dma_wait3A_97, %dma_wait3A_98] : memref<32x64x8xi32, #tpu.memory_space<hbm>> -> memref<1x64x8xi32, #tpu.memory_space<hbm>>
      %dma_wait3A_100 = tpu.memref_squeeze %dma_wait3A_99 : memref<1x64x8xi32, #tpu.memory_space<hbm>> -> memref<64x8xi32, #tpu.memory_space<hbm>>
      %dma_wait3A_101 = arith.constant 0 : i32
      %dma_wait3A_102 = arith.constant 0 : i32
      %dma_wait3A_103 = tpu.memref_slice %arg3[%add3A, %dma_wait3A_101, %dma_wait3A_102] : memref<32x64x8xi32, #tpu.memory_space<hbm>> -> memref<1x64x8xi32, #tpu.memory_space<hbm>>
      %dma_wait3A_104 = tpu.memref_squeeze %dma_wait3A_103 : memref<1x64x8xi32, #tpu.memory_space<hbm>> -> memref<64x8xi32, #tpu.memory_space<hbm>>
      tpu.wait_dma2 semaphore(%run_scoped3A : memref<!tpu.dma_semaphore, #tpu.memory_space<semaphore_mem>>) src(%dma_wait3A_104 : memref<64x8xi32, #tpu.memory_space<hbm>>) dst(%arg5 : memref<64x8xi32, #tpu.memory_space<vmem>>)
      tpu.yield
    }) : () -> ()
    %dma_start3A = arith.constant 0 : i32
    %dma_start3A_3 = arith.constant 0 : i32
    %dma_start3A_4 = arith.constant 0 : i32
    %dma_start3A_5 = arith.constant 0 : i32
    %dma_start3A_6 = tpu.memref_slice %arg6[%dma_start3A_3, %dma_start3A_4, %dma_start3A_5] : memref<4x8x2048xf32, #tpu.memory_space<vmem>> -> memref<1x8x2048xf32, #tpu.memory_space<vmem>>
    %dma_start3A_7 = tpu.memref_squeeze %dma_start3A_6 : memref<1x8x2048xf32, #tpu.memory_space<vmem>> -> memref<8x2048xf32, #tpu.memory_space<vmem>>
    %dma_start3A_8 = arith.constant 0 : i32
    %dma_start3A_9 = tpu.memref_slice %arg5[%dma_start3A, %dma_start3A_8] : memref<64x8xi32, #tpu.memory_space<vmem>> -> memref<1x8xi32, #tpu.memory_space<vmem>>
    %dma_start3A_10 = tpu.memref_squeeze %dma_start3A_9 : memref<1x8xi32, #tpu.memory_space<vmem>> -> memref<8xi32, #tpu.memory_space<vmem>>
    %dma_start3A_11 = arith.constant 0 : i32
    %dma_start3A_12 = arith.constant 0 : i32
    %dma_start3A_13 = tpu.memref_slice %arg2[%dma_start3A_11, %dma_start3A_12] : memref<8192x2048xf32, #tpu.memory_space<hbm>> -> memref<8192x2048xf32, #tpu.memory_space<hbm>>
    tpu.enqueue_indirect_dma source(%dma_start3A_13 : memref<8192x2048xf32, #tpu.memory_space<hbm>>) target(%dma_start3A_7 : memref<8x2048xf32, #tpu.memory_space<vmem>>) offsets(%dma_start3A_10 : memref<8xi32, #tpu.memory_space<vmem>>) semaphore(%arg7 : memref<!tpu.dma_semaphore, #tpu.memory_space<semaphore_mem>>)
    %dma_start3A_14 = arith.constant 1 : i32
    %dma_start3A_15 = arith.constant 1 : i32
    %dma_start3A_16 = arith.constant 0 : i32
    %dma_start3A_17 = arith.constant 0 : i32
    %dma_start3A_18 = tpu.memref_slice %arg6[%dma_start3A_15, %dma_start3A_16, %dma_start3A_17] : memref<4x8x2048xf32, #tpu.memory_space<vmem>> -> memref<1x8x2048xf32, #tpu.memory_space<vmem>>
    %dma_start3A_19 = tpu.memref_squeeze %dma_start3A_18 : memref<1x8x2048xf32, #tpu.memory_space<vmem>> -> memref<8x2048xf32, #tpu.memory_space<vmem>>
    %dma_start3A_20 = arith.constant 0 : i32
    %dma_start3A_21 = tpu.memref_slice %arg5[%dma_start3A_14, %dma_start3A_20] : memref<64x8xi32, #tpu.memory_space<vmem>> -> memref<1x8xi32, #tpu.memory_space<vmem>>
    %dma_start3A_22 = tpu.memref_squeeze %dma_start3A_21 : memref<1x8xi32, #tpu.memory_space<vmem>> -> memref<8xi32, #tpu.memory_space<vmem>>
    %dma_start3A_23 = arith.constant 0 : i32
    %dma_start3A_24 = arith.constant 0 : i32
    %dma_start3A_25 = tpu.memref_slice %arg2[%dma_start3A_23, %dma_start3A_24] : memref<8192x2048xf32, #tpu.memory_space<hbm>> -> memref<8192x2048xf32, #tpu.memory_space<hbm>>
    tpu.enqueue_indirect_dma source(%dma_start3A_25 : memref<8192x2048xf32, #tpu.memory_space<hbm>>) target(%dma_start3A_19 : memref<8x2048xf32, #tpu.memory_space<vmem>>) offsets(%dma_start3A_22 : memref<8xi32, #tpu.memory_space<vmem>>) semaphore(%arg8 : memref<!tpu.dma_semaphore, #tpu.memory_space<semaphore_mem>>)
    %scan3A = arith.constant 0 : i32
    %scan3A_26 = arith.constant 16 : i32
    %scan3A_27 = arith.addi %scan3A, %scan3A_26 : i32
    %scan3A_28 = arith.constant 1 : i32
    scf.for %scan3A_89 = %scan3A to %scan3A_27 step %scan3A_28  : i32 {
      %mul3A_90 = arith.constant 4 : i32
      %mul3A_91 = arith.muli %scan3A_89, %mul3A_90 : i32
      %add3A_92 = arith.constant 0 : i32
      %add3A_93 = arith.addi %add3A_92, %mul3A_91 : i32
      %add3A_94 = arith.constant 0 : i32
      %add3A_95 = arith.addi %add3A_93, %add3A_94 : i32
      %add3A_96 = arith.constant 2 : i32
      %add3A_97 = arith.addi %add3A_95, %add3A_96 : i32
      %lt3A = arith.constant 64 : i32
      %lt3A_98 = arith.cmpi slt, %add3A_97, %lt3A : i32
      %convert_element_type3A = arith.extui %lt3A_98 : i1 to i32
      %cond3A = arith.constant 0 : i32
      %cond3A_99 = arith.cmpi ne, %convert_element_type3A, %cond3A : i32
      scf.if %cond3A_99 {
        %ge3A = arith.constant 4 : i32
        %ge3A_235 = arith.cmpi sge, %add3A_97, %ge3A : i32
        %convert_element_type3A_236 = arith.extui %ge3A_235 : i1 to i32
        %cond3A_237 = arith.constant 0 : i32
        %cond3A_238 = arith.cmpi ne, %convert_element_type3A_236, %cond3A_237 : i32
        scf.if %cond3A_238 {
          %sub3A = arith.constant 4 : i32
          %sub3A_250 = arith.subi %add3A_97, %sub3A : i32
          %mul3A_251 = arith.constant 8 : i32
          %mul3A_252 = arith.muli %sub3A_250, %mul3A_251 : i32
          %add3A_253 = arith.addi %mul3A_2, %mul3A_252 : i32
          %dma_wait3A_254 = arith.constant 2 : i32
          %dma_wait3A_255 = arith.constant 0 : i32
          %dma_wait3A_256 = arith.constant 0 : i32
          %dma_wait3A_257 = tpu.memref_slice %arg6[%dma_wait3A_254, %dma_wait3A_255, %dma_wait3A_256] : memref<4x8x2048xf32, #tpu.memory_space<vmem>> -> memref<1x8x2048xf32, #tpu.memory_space<vmem>>
          %dma_wait3A_258 = tpu.memref_squeeze %dma_wait3A_257 : memref<1x8x2048xf32, #tpu.memory_space<vmem>> -> memref<8x2048xf32, #tpu.memory_space<vmem>>
          %dma_wait3A_259 = arith.constant 0 : i32
          %dma_wait3A_260 = tpu.memref_slice %arg4[%add3A_253, %dma_wait3A_259] : memref<16384x2048xf32, #tpu.memory_space<hbm>> -> memref<8x2048xf32, #tpu.memory_space<hbm>>
          %dma_wait3A_261 = arith.constant 0 : i32
          %dma_wait3A_262 = tpu.memref_slice %arg4[%add3A_253, %dma_wait3A_261] : memref<16384x2048xf32, #tpu.memory_space<hbm>> -> memref<8x2048xf32, #tpu.memory_space<hbm>>
          %dma_wait3A_263 = arith.constant 0 : i32
          %dma_wait3A_264 = arith.constant 0 : i32
          %dma_wait3A_265 = tpu.memref_slice %arg6[%dma_wait3A_254, %dma_wait3A_263, %dma_wait3A_264] : memref<4x8x2048xf32, #tpu.memory_space<vmem>> -> memref<1x8x2048xf32, #tpu.memory_space<vmem>>
          %dma_wait3A_266 = tpu.memref_squeeze %dma_wait3A_265 : memref<1x8x2048xf32, #tpu.memory_space<vmem>> -> memref<8x2048xf32, #tpu.memory_space<vmem>>
          tpu.wait_dma2 semaphore(%arg13 : memref<!tpu.dma_semaphore, #tpu.memory_space<semaphore_mem>>) src(%dma_wait3A_266 : memref<8x2048xf32, #tpu.memory_space<vmem>>) dst(%dma_wait3A_262 : memref<8x2048xf32, #tpu.memory_space<hbm>>)
        } else {
        }
        %dma_start3A_239 = arith.constant 2 : i32
        %dma_start3A_240 = arith.constant 0 : i32
        %dma_start3A_241 = arith.constant 0 : i32
        %dma_start3A_242 = tpu.memref_slice %arg6[%dma_start3A_239, %dma_start3A_240, %dma_start3A_241] : memref<4x8x2048xf32, #tpu.memory_space<vmem>> -> memref<1x8x2048xf32, #tpu.memory_space<vmem>>
        %dma_start3A_243 = tpu.memref_squeeze %dma_start3A_242 : memref<1x8x2048xf32, #tpu.memory_space<vmem>> -> memref<8x2048xf32, #tpu.memory_space<vmem>>
        %dma_start3A_244 = arith.constant 0 : i32
        %dma_start3A_245 = tpu.memref_slice %arg5[%add3A_97, %dma_start3A_244] : memref<64x8xi32, #tpu.memory_space<vmem>> -> memref<1x8xi32, #tpu.memory_space<vmem>>
        %dma_start3A_246 = tpu.memref_squeeze %dma_start3A_245 : memref<1x8xi32, #tpu.memory_space<vmem>> -> memref<8xi32, #tpu.memory_space<vmem>>
        %dma_start3A_247 = arith.constant 0 : i32
        %dma_start3A_248 = arith.constant 0 : i32
        %dma_start3A_249 = tpu.memref_slice %arg2[%dma_start3A_247, %dma_start3A_248] : memref<8192x2048xf32, #tpu.memory_space<hbm>> -> memref<8192x2048xf32, #tpu.memory_space<hbm>>
        tpu.enqueue_indirect_dma source(%dma_start3A_249 : memref<8192x2048xf32, #tpu.memory_space<hbm>>) target(%dma_start3A_243 : memref<8x2048xf32, #tpu.memory_space<vmem>>) offsets(%dma_start3A_246 : memref<8xi32, #tpu.memory_space<vmem>>) semaphore(%arg9 : memref<!tpu.dma_semaphore, #tpu.memory_space<semaphore_mem>>)
      } else {
      }
      %dma_wait3A_100 = arith.constant 0 : i32
      %dma_wait3A_101 = arith.constant 0 : i32
      %dma_wait3A_102 = arith.constant 0 : i32
      %dma_wait3A_103 = tpu.memref_slice %arg6[%dma_wait3A_100, %dma_wait3A_101, %dma_wait3A_102] : memref<4x8x2048xf32, #tpu.memory_space<vmem>> -> memref<1x8x2048xf32, #tpu.memory_space<vmem>>
      %dma_wait3A_104 = tpu.memref_squeeze %dma_wait3A_103 : memref<1x8x2048xf32, #tpu.memory_space<vmem>> -> memref<8x2048xf32, #tpu.memory_space<vmem>>
      %dma_wait3A_105 = arith.constant 0 : i32
      %dma_wait3A_106 = tpu.memref_slice %arg5[%add3A_95, %dma_wait3A_105] : memref<64x8xi32, #tpu.memory_space<vmem>> -> memref<1x8xi32, #tpu.memory_space<vmem>>
      %dma_wait3A_107 = tpu.memref_squeeze %dma_wait3A_106 : memref<1x8xi32, #tpu.memory_space<vmem>> -> memref<8xi32, #tpu.memory_space<vmem>>
      %dma_wait3A_108 = arith.constant 0 : i32
      %dma_wait3A_109 = arith.constant 0 : i32
      %dma_wait3A_110 = tpu.memref_slice %arg2[%dma_wait3A_108, %dma_wait3A_109] : memref<8192x2048xf32, #tpu.memory_space<hbm>> -> memref<8192x2048xf32, #tpu.memory_space<hbm>>
      tpu.wait_indirect_dma semaphore(%arg7 : memref<!tpu.dma_semaphore, #tpu.memory_space<semaphore_mem>>) src(%dma_wait3A_110 : memref<8192x2048xf32, #tpu.memory_space<hbm>>) dst(%dma_wait3A_104 : memref<8x2048xf32, #tpu.memory_space<vmem>>)
      %mul3A_111 = arith.constant 8 : i32
      %mul3A_112 = arith.muli %add3A_95, %mul3A_111 : i32
      %add3A_113 = arith.addi %mul3A_2, %mul3A_112 : i32
      %dma_start3A_114 = arith.constant 0 : i32
      %dma_start3A_115 = arith.constant 0 : i32
      %dma_start3A_116 = arith.constant 0 : i32
      %dma_start3A_117 = tpu.memref_slice %arg6[%dma_start3A_114, %dma_start3A_115, %dma_start3A_116] : memref<4x8x2048xf32, #tpu.memory_space<vmem>> -> memref<1x8x2048xf32, #tpu.memory_space<vmem>>
      %dma_start3A_118 = tpu.memref_squeeze %dma_start3A_117 : memref<1x8x2048xf32, #tpu.memory_space<vmem>> -> memref<8x2048xf32, #tpu.memory_space<vmem>>
      %dma_start3A_119 = arith.constant 0 : i32
      %dma_start3A_120 = tpu.memref_slice %arg4[%add3A_113, %dma_start3A_119] : memref<16384x2048xf32, #tpu.memory_space<hbm>> -> memref<8x2048xf32, #tpu.memory_space<hbm>>
      %dma_start3A_121 = arith.constant 0 : i32
      %dma_start3A_122 = tpu.memref_slice %arg4[%add3A_113, %dma_start3A_121] : memref<16384x2048xf32, #tpu.memory_space<hbm>> -> memref<8x2048xf32, #tpu.memory_space<hbm>>
      %dma_start3A_123 = arith.constant 0 : i32
      %dma_start3A_124 = arith.constant 0 : i32
      %dma_start3A_125 = tpu.memref_slice %arg6[%dma_start3A_114, %dma_start3A_123, %dma_start3A_124] : memref<4x8x2048xf32, #tpu.memory_space<vmem>> -> memref<1x8x2048xf32, #tpu.memory_space<vmem>>
      %dma_start3A_126 = tpu.memref_squeeze %dma_start3A_125 : memref<1x8x2048xf32, #tpu.memory_space<vmem>> -> memref<8x2048xf32, #tpu.memory_space<vmem>>
      tpu.enqueue_dma source(%dma_start3A_126 : memref<8x2048xf32, #tpu.memory_space<vmem>>) target(%dma_start3A_122 : memref<8x2048xf32, #tpu.memory_space<hbm>>) target_semaphore(%arg11 : memref<!tpu.dma_semaphore, #tpu.memory_space<semaphore_mem>>)
      %add3A_127 = arith.constant 1 : i32
      %add3A_128 = arith.addi %add3A_93, %add3A_127 : i32
      %add3A_129 = arith.constant 2 : i32
      %add3A_130 = arith.addi %add3A_128, %add3A_129 : i32
      %lt3A_131 = arith.constant 64 : i32
      %lt3A_132 = arith.cmpi slt, %add3A_130, %lt3A_131 : i32
      %convert_element_type3A_133 = arith.extui %lt3A_132 : i1 to i32
      %cond3A_134 = arith.constant 0 : i32
      %cond3A_135 = arith.cmpi ne, %convert_element_type3A_133, %cond3A_134 : i32
      scf.if %cond3A_135 {
        %ge3A = arith.constant 4 : i32
        %ge3A_235 = arith.cmpi sge, %add3A_130, %ge3A : i32
        %convert_element_type3A_236 = arith.extui %ge3A_235 : i1 to i32
        %cond3A_237 = arith.constant 0 : i32
        %cond3A_238 = arith.cmpi ne, %convert_element_type3A_236, %cond3A_237 : i32
        scf.if %cond3A_238 {
          %sub3A = arith.constant 4 : i32
          %sub3A_250 = arith.subi %add3A_130, %sub3A : i32
          %mul3A_251 = arith.constant 8 : i32
          %mul3A_252 = arith.muli %sub3A_250, %mul3A_251 : i32
          %add3A_253 = arith.addi %mul3A_2, %mul3A_252 : i32
          %dma_wait3A_254 = arith.constant 3 : i32
          %dma_wait3A_255 = arith.constant 0 : i32
          %dma_wait3A_256 = arith.constant 0 : i32
          %dma_wait3A_257 = tpu.memref_slice %arg6[%dma_wait3A_254, %dma_wait3A_255, %dma_wait3A_256] : memref<4x8x2048xf32, #tpu.memory_space<vmem>> -> memref<1x8x2048xf32, #tpu.memory_space<vmem>>
          %dma_wait3A_258 = tpu.memref_squeeze %dma_wait3A_257 : memref<1x8x2048xf32, #tpu.memory_space<vmem>> -> memref<8x2048xf32, #tpu.memory_space<vmem>>
          %dma_wait3A_259 = arith.constant 0 : i32
          %dma_wait3A_260 = tpu.memref_slice %arg4[%add3A_253, %dma_wait3A_259] : memref<16384x2048xf32, #tpu.memory_space<hbm>> -> memref<8x2048xf32, #tpu.memory_space<hbm>>
          %dma_wait3A_261 = arith.constant 0 : i32
          %dma_wait3A_262 = tpu.memref_slice %arg4[%add3A_253, %dma_wait3A_261] : memref<16384x2048xf32, #tpu.memory_space<hbm>> -> memref<8x2048xf32, #tpu.memory_space<hbm>>
          %dma_wait3A_263 = arith.constant 0 : i32
          %dma_wait3A_264 = arith.constant 0 : i32
          %dma_wait3A_265 = tpu.memref_slice %arg6[%dma_wait3A_254, %dma_wait3A_263, %dma_wait3A_264] : memref<4x8x2048xf32, #tpu.memory_space<vmem>> -> memref<1x8x2048xf32, #tpu.memory_space<vmem>>
          %dma_wait3A_266 = tpu.memref_squeeze %dma_wait3A_265 : memref<1x8x2048xf32, #tpu.memory_space<vmem>> -> memref<8x2048xf32, #tpu.memory_space<vmem>>
          tpu.wait_dma2 semaphore(%arg14 : memref<!tpu.dma_semaphore, #tpu.memory_space<semaphore_mem>>) src(%dma_wait3A_266 : memref<8x2048xf32, #tpu.memory_space<vmem>>) dst(%dma_wait3A_262 : memref<8x2048xf32, #tpu.memory_space<hbm>>)
        } else {
        }
        %dma_start3A_239 = arith.constant 3 : i32
        %dma_start3A_240 = arith.constant 0 : i32
        %dma_start3A_241 = arith.constant 0 : i32
        %dma_start3A_242 = tpu.memref_slice %arg6[%dma_start3A_239, %dma_start3A_240, %dma_start3A_241] : memref<4x8x2048xf32, #tpu.memory_space<vmem>> -> memref<1x8x2048xf32, #tpu.memory_space<vmem>>
        %dma_start3A_243 = tpu.memref_squeeze %dma_start3A_242 : memref<1x8x2048xf32, #tpu.memory_space<vmem>> -> memref<8x2048xf32, #tpu.memory_space<vmem>>
        %dma_start3A_244 = arith.constant 0 : i32
        %dma_start3A_245 = tpu.memref_slice %arg5[%add3A_130, %dma_start3A_244] : memref<64x8xi32, #tpu.memory_space<vmem>> -> memref<1x8xi32, #tpu.memory_space<vmem>>
        %dma_start3A_246 = tpu.memref_squeeze %dma_start3A_245 : memref<1x8xi32, #tpu.memory_space<vmem>> -> memref<8xi32, #tpu.memory_space<vmem>>
        %dma_start3A_247 = arith.constant 0 : i32
        %dma_start3A_248 = arith.constant 0 : i32
        %dma_start3A_249 = tpu.memref_slice %arg2[%dma_start3A_247, %dma_start3A_248] : memref<8192x2048xf32, #tpu.memory_space<hbm>> -> memref<8192x2048xf32, #tpu.memory_space<hbm>>
        tpu.enqueue_indirect_dma source(%dma_start3A_249 : memref<8192x2048xf32, #tpu.memory_space<hbm>>) target(%dma_start3A_243 : memref<8x2048xf32, #tpu.memory_space<vmem>>) offsets(%dma_start3A_246 : memref<8xi32, #tpu.memory_space<vmem>>) semaphore(%arg10 : memref<!tpu.dma_semaphore, #tpu.memory_space<semaphore_mem>>)
      } else {
      }
      %dma_wait3A_136 = arith.constant 1 : i32
      %dma_wait3A_137 = arith.constant 0 : i32
      %dma_wait3A_138 = arith.constant 0 : i32
      %dma_wait3A_139 = tpu.memref_slice %arg6[%dma_wait3A_136, %dma_wait3A_137, %dma_wait3A_138] : memref<4x8x2048xf32, #tpu.memory_space<vmem>> -> memref<1x8x2048xf32, #tpu.memory_space<vmem>>
      %dma_wait3A_140 = tpu.memref_squeeze %dma_wait3A_139 : memref<1x8x2048xf32, #tpu.memory_space<vmem>> -> memref<8x2048xf32, #tpu.memory_space<vmem>>
      %dma_wait3A_141 = arith.constant 0 : i32
      %dma_wait3A_142 = tpu.memref_slice %arg5[%add3A_128, %dma_wait3A_141] : memref<64x8xi32, #tpu.memory_space<vmem>> -> memref<1x8xi32, #tpu.memory_space<vmem>>
      %dma_wait3A_143 = tpu.memref_squeeze %dma_wait3A_142 : memref<1x8xi32, #tpu.memory_space<vmem>> -> memref<8xi32, #tpu.memory_space<vmem>>
      %dma_wait3A_144 = arith.constant 0 : i32
      %dma_wait3A_145 = arith.constant 0 : i32
      %dma_wait3A_146 = tpu.memref_slice %arg2[%dma_wait3A_144, %dma_wait3A_145] : memref<8192x2048xf32, #tpu.memory_space<hbm>> -> memref<8192x2048xf32, #tpu.memory_space<hbm>>
      tpu.wait_indirect_dma semaphore(%arg8 : memref<!tpu.dma_semaphore, #tpu.memory_space<semaphore_mem>>) src(%dma_wait3A_146 : memref<8192x2048xf32, #tpu.memory_space<hbm>>) dst(%dma_wait3A_140 : memref<8x2048xf32, #tpu.memory_space<vmem>>)
      %mul3A_147 = arith.constant 8 : i32
      %mul3A_148 = arith.muli %add3A_128, %mul3A_147 : i32
      %add3A_149 = arith.addi %mul3A_2, %mul3A_148 : i32
      %dma_start3A_150 = arith.constant 1 : i32
      %dma_start3A_151 = arith.constant 0 : i32
      %dma_start3A_152 = arith.constant 0 : i32
      %dma_start3A_153 = tpu.memref_slice %arg6[%dma_start3A_150, %dma_start3A_151, %dma_start3A_152] : memref<4x8x2048xf32, #tpu.memory_space<vmem>> -> memref<1x8x2048xf32, #tpu.memory_space<vmem>>
      %dma_start3A_154 = tpu.memref_squeeze %dma_start3A_153 : memref<1x8x2048xf32, #tpu.memory_space<vmem>> -> memref<8x2048xf32, #tpu.memory_space<vmem>>
      %dma_start3A_155 = arith.constant 0 : i32
      %dma_start3A_156 = tpu.memref_slice %arg4[%add3A_149, %dma_start3A_155] : memref<16384x2048xf32, #tpu.memory_space<hbm>> -> memref<8x2048xf32, #tpu.memory_space<hbm>>
      %dma_start3A_157 = arith.constant 0 : i32
      %dma_start3A_158 = tpu.memref_slice %arg4[%add3A_149, %dma_start3A_157] : memref<16384x2048xf32, #tpu.memory_space<hbm>> -> memref<8x2048xf32, #tpu.memory_space<hbm>>
      %dma_start3A_159 = arith.constant 0 : i32
      %dma_start3A_160 = arith.constant 0 : i32
      %dma_start3A_161 = tpu.memref_slice %arg6[%dma_start3A_150, %dma_start3A_159, %dma_start3A_160] : memref<4x8x2048xf32, #tpu.memory_space<vmem>> -> memref<1x8x2048xf32, #tpu.memory_space<vmem>>
      %dma_start3A_162 = tpu.memref_squeeze %dma_start3A_161 : memref<1x8x2048xf32, #tpu.memory_space<vmem>> -> memref<8x2048xf32, #tpu.memory_space<vmem>>
      tpu.enqueue_dma source(%dma_start3A_162 : memref<8x2048xf32, #tpu.memory_space<vmem>>) target(%dma_start3A_158 : memref<8x2048xf32, #tpu.memory_space<hbm>>) target_semaphore(%arg12 : memref<!tpu.dma_semaphore, #tpu.memory_space<semaphore_mem>>)
      %add3A_163 = arith.constant 2 : i32
      %add3A_164 = arith.addi %add3A_93, %add3A_163 : i32
      %add3A_165 = arith.constant 2 : i32
      %add3A_166 = arith.addi %add3A_164, %add3A_165 : i32
      %lt3A_167 = arith.constant 64 : i32
      %lt3A_168 = arith.cmpi slt, %add3A_166, %lt3A_167 : i32
      %convert_element_type3A_169 = arith.extui %lt3A_168 : i1 to i32
      %cond3A_170 = arith.constant 0 : i32
      %cond3A_171 = arith.cmpi ne, %convert_element_type3A_169, %cond3A_170 : i32
      scf.if %cond3A_171 {
        %ge3A = arith.constant 4 : i32
        %ge3A_235 = arith.cmpi sge, %add3A_166, %ge3A : i32
        %convert_element_type3A_236 = arith.extui %ge3A_235 : i1 to i32
        %cond3A_237 = arith.constant 0 : i32
        %cond3A_238 = arith.cmpi ne, %convert_element_type3A_236, %cond3A_237 : i32
        scf.if %cond3A_238 {
          %sub3A = arith.constant 4 : i32
          %sub3A_250 = arith.subi %add3A_166, %sub3A : i32
          %mul3A_251 = arith.constant 8 : i32
          %mul3A_252 = arith.muli %sub3A_250, %mul3A_251 : i32
          %add3A_253 = arith.addi %mul3A_2, %mul3A_252 : i32
          %dma_wait3A_254 = arith.constant 0 : i32
          %dma_wait3A_255 = arith.constant 0 : i32
          %dma_wait3A_256 = arith.constant 0 : i32
          %dma_wait3A_257 = tpu.memref_slice %arg6[%dma_wait3A_254, %dma_wait3A_255, %dma_wait3A_256] : memref<4x8x2048xf32, #tpu.memory_space<vmem>> -> memref<1x8x2048xf32, #tpu.memory_space<vmem>>
          %dma_wait3A_258 = tpu.memref_squeeze %dma_wait3A_257 : memref<1x8x2048xf32, #tpu.memory_space<vmem>> -> memref<8x2048xf32, #tpu.memory_space<vmem>>
          %dma_wait3A_259 = arith.constant 0 : i32
          %dma_wait3A_260 = tpu.memref_slice %arg4[%add3A_253, %dma_wait3A_259] : memref<16384x2048xf32, #tpu.memory_space<hbm>> -> memref<8x2048xf32, #tpu.memory_space<hbm>>
          %dma_wait3A_261 = arith.constant 0 : i32
          %dma_wait3A_262 = tpu.memref_slice %arg4[%add3A_253, %dma_wait3A_261] : memref<16384x2048xf32, #tpu.memory_space<hbm>> -> memref<8x2048xf32, #tpu.memory_space<hbm>>
          %dma_wait3A_263 = arith.constant 0 : i32
          %dma_wait3A_264 = arith.constant 0 : i32
          %dma_wait3A_265 = tpu.memref_slice %arg6[%dma_wait3A_254, %dma_wait3A_263, %dma_wait3A_264] : memref<4x8x2048xf32, #tpu.memory_space<vmem>> -> memref<1x8x2048xf32, #tpu.memory_space<vmem>>
          %dma_wait3A_266 = tpu.memref_squeeze %dma_wait3A_265 : memref<1x8x2048xf32, #tpu.memory_space<vmem>> -> memref<8x2048xf32, #tpu.memory_space<vmem>>
          tpu.wait_dma2 semaphore(%arg11 : memref<!tpu.dma_semaphore, #tpu.memory_space<semaphore_mem>>) src(%dma_wait3A_266 : memref<8x2048xf32, #tpu.memory_space<vmem>>) dst(%dma_wait3A_262 : memref<8x2048xf32, #tpu.memory_space<hbm>>)
        } else {
        }
        %dma_start3A_239 = arith.constant 0 : i32
        %dma_start3A_240 = arith.constant 0 : i32
        %dma_start3A_241 = arith.constant 0 : i32
        %dma_start3A_242 = tpu.memref_slice %arg6[%dma_start3A_239, %dma_start3A_240, %dma_start3A_241] : memref<4x8x2048xf32, #tpu.memory_space<vmem>> -> memref<1x8x2048xf32, #tpu.memory_space<vmem>>
        %dma_start3A_243 = tpu.memref_squeeze %dma_start3A_242 : memref<1x8x2048xf32, #tpu.memory_space<vmem>> -> memref<8x2048xf32, #tpu.memory_space<vmem>>
        %dma_start3A_244 = arith.constant 0 : i32
        %dma_start3A_245 = tpu.memref_slice %arg5[%add3A_166, %dma_start3A_244] : memref<64x8xi32, #tpu.memory_space<vmem>> -> memref<1x8xi32, #tpu.memory_space<vmem>>
        %dma_start3A_246 = tpu.memref_squeeze %dma_start3A_245 : memref<1x8xi32, #tpu.memory_space<vmem>> -> memref<8xi32, #tpu.memory_space<vmem>>
        %dma_start3A_247 = arith.constant 0 : i32
        %dma_start3A_248 = arith.constant 0 : i32
        %dma_start3A_249 = tpu.memref_slice %arg2[%dma_start3A_247, %dma_start3A_248] : memref<8192x2048xf32, #tpu.memory_space<hbm>> -> memref<8192x2048xf32, #tpu.memory_space<hbm>>
        tpu.enqueue_indirect_dma source(%dma_start3A_249 : memref<8192x2048xf32, #tpu.memory_space<hbm>>) target(%dma_start3A_243 : memref<8x2048xf32, #tpu.memory_space<vmem>>) offsets(%dma_start3A_246 : memref<8xi32, #tpu.memory_space<vmem>>) semaphore(%arg7 : memref<!tpu.dma_semaphore, #tpu.memory_space<semaphore_mem>>)
      } else {
      }
      %dma_wait3A_172 = arith.constant 2 : i32
      %dma_wait3A_173 = arith.constant 0 : i32
      %dma_wait3A_174 = arith.constant 0 : i32
      %dma_wait3A_175 = tpu.memref_slice %arg6[%dma_wait3A_172, %dma_wait3A_173, %dma_wait3A_174] : memref<4x8x2048xf32, #tpu.memory_space<vmem>> -> memref<1x8x2048xf32, #tpu.memory_space<vmem>>
      %dma_wait3A_176 = tpu.memref_squeeze %dma_wait3A_175 : memref<1x8x2048xf32, #tpu.memory_space<vmem>> -> memref<8x2048xf32, #tpu.memory_space<vmem>>
      %dma_wait3A_177 = arith.constant 0 : i32
      %dma_wait3A_178 = tpu.memref_slice %arg5[%add3A_164, %dma_wait3A_177] : memref<64x8xi32, #tpu.memory_space<vmem>> -> memref<1x8xi32, #tpu.memory_space<vmem>>
      %dma_wait3A_179 = tpu.memref_squeeze %dma_wait3A_178 : memref<1x8xi32, #tpu.memory_space<vmem>> -> memref<8xi32, #tpu.memory_space<vmem>>
      %dma_wait3A_180 = arith.constant 0 : i32
      %dma_wait3A_181 = arith.constant 0 : i32
      %dma_wait3A_182 = tpu.memref_slice %arg2[%dma_wait3A_180, %dma_wait3A_181] : memref<8192x2048xf32, #tpu.memory_space<hbm>> -> memref<8192x2048xf32, #tpu.memory_space<hbm>>
      tpu.wait_indirect_dma semaphore(%arg9 : memref<!tpu.dma_semaphore, #tpu.memory_space<semaphore_mem>>) src(%dma_wait3A_182 : memref<8192x2048xf32, #tpu.memory_space<hbm>>) dst(%dma_wait3A_176 : memref<8x2048xf32, #tpu.memory_space<vmem>>)
      %mul3A_183 = arith.constant 8 : i32
      %mul3A_184 = arith.muli %add3A_164, %mul3A_183 : i32
      %add3A_185 = arith.addi %mul3A_2, %mul3A_184 : i32
      %dma_start3A_186 = arith.constant 2 : i32
      %dma_start3A_187 = arith.constant 0 : i32
      %dma_start3A_188 = arith.constant 0 : i32
      %dma_start3A_189 = tpu.memref_slice %arg6[%dma_start3A_186, %dma_start3A_187, %dma_start3A_188] : memref<4x8x2048xf32, #tpu.memory_space<vmem>> -> memref<1x8x2048xf32, #tpu.memory_space<vmem>>
      %dma_start3A_190 = tpu.memref_squeeze %dma_start3A_189 : memref<1x8x2048xf32, #tpu.memory_space<vmem>> -> memref<8x2048xf32, #tpu.memory_space<vmem>>
      %dma_start3A_191 = arith.constant 0 : i32
      %dma_start3A_192 = tpu.memref_slice %arg4[%add3A_185, %dma_start3A_191] : memref<16384x2048xf32, #tpu.memory_space<hbm>> -> memref<8x2048xf32, #tpu.memory_space<hbm>>
      %dma_start3A_193 = arith.constant 0 : i32
      %dma_start3A_194 = tpu.memref_slice %arg4[%add3A_185, %dma_start3A_193] : memref<16384x2048xf32, #tpu.memory_space<hbm>> -> memref<8x2048xf32, #tpu.memory_space<hbm>>
      %dma_start3A_195 = arith.constant 0 : i32
      %dma_start3A_196 = arith.constant 0 : i32
      %dma_start3A_197 = tpu.memref_slice %arg6[%dma_start3A_186, %dma_start3A_195, %dma_start3A_196] : memref<4x8x2048xf32, #tpu.memory_space<vmem>> -> memref<1x8x2048xf32, #tpu.memory_space<vmem>>
      %dma_start3A_198 = tpu.memref_squeeze %dma_start3A_197 : memref<1x8x2048xf32, #tpu.memory_space<vmem>> -> memref<8x2048xf32, #tpu.memory_space<vmem>>
      tpu.enqueue_dma source(%dma_start3A_198 : memref<8x2048xf32, #tpu.memory_space<vmem>>) target(%dma_start3A_194 : memref<8x2048xf32, #tpu.memory_space<hbm>>) target_semaphore(%arg13 : memref<!tpu.dma_semaphore, #tpu.memory_space<semaphore_mem>>)
      %add3A_199 = arith.constant 3 : i32
      %add3A_200 = arith.addi %add3A_93, %add3A_199 : i32
      %add3A_201 = arith.constant 2 : i32
      %add3A_202 = arith.addi %add3A_200, %add3A_201 : i32
      %lt3A_203 = arith.constant 64 : i32
      %lt3A_204 = arith.cmpi slt, %add3A_202, %lt3A_203 : i32
      %convert_element_type3A_205 = arith.extui %lt3A_204 : i1 to i32
      %cond3A_206 = arith.constant 0 : i32
      %cond3A_207 = arith.cmpi ne, %convert_element_type3A_205, %cond3A_206 : i32
      scf.if %cond3A_207 {
        %ge3A = arith.constant 4 : i32
        %ge3A_235 = arith.cmpi sge, %add3A_202, %ge3A : i32
        %convert_element_type3A_236 = arith.extui %ge3A_235 : i1 to i32
        %cond3A_237 = arith.constant 0 : i32
        %cond3A_238 = arith.cmpi ne, %convert_element_type3A_236, %cond3A_237 : i32
        scf.if %cond3A_238 {
          %sub3A = arith.constant 4 : i32
          %sub3A_250 = arith.subi %add3A_202, %sub3A : i32
          %mul3A_251 = arith.constant 8 : i32
          %mul3A_252 = arith.muli %sub3A_250, %mul3A_251 : i32
          %add3A_253 = arith.addi %mul3A_2, %mul3A_252 : i32
          %dma_wait3A_254 = arith.constant 1 : i32
          %dma_wait3A_255 = arith.constant 0 : i32
          %dma_wait3A_256 = arith.constant 0 : i32
          %dma_wait3A_257 = tpu.memref_slice %arg6[%dma_wait3A_254, %dma_wait3A_255, %dma_wait3A_256] : memref<4x8x2048xf32, #tpu.memory_space<vmem>> -> memref<1x8x2048xf32, #tpu.memory_space<vmem>>
          %dma_wait3A_258 = tpu.memref_squeeze %dma_wait3A_257 : memref<1x8x2048xf32, #tpu.memory_space<vmem>> -> memref<8x2048xf32, #tpu.memory_space<vmem>>
          %dma_wait3A_259 = arith.constant 0 : i32
          %dma_wait3A_260 = tpu.memref_slice %arg4[%add3A_253, %dma_wait3A_259] : memref<16384x2048xf32, #tpu.memory_space<hbm>> -> memref<8x2048xf32, #tpu.memory_space<hbm>>
          %dma_wait3A_261 = arith.constant 0 : i32
          %dma_wait3A_262 = tpu.memref_slice %arg4[%add3A_253, %dma_wait3A_261] : memref<16384x2048xf32, #tpu.memory_space<hbm>> -> memref<8x2048xf32, #tpu.memory_space<hbm>>
          %dma_wait3A_263 = arith.constant 0 : i32
          %dma_wait3A_264 = arith.constant 0 : i32
          %dma_wait3A_265 = tpu.memref_slice %arg6[%dma_wait3A_254, %dma_wait3A_263, %dma_wait3A_264] : memref<4x8x2048xf32, #tpu.memory_space<vmem>> -> memref<1x8x2048xf32, #tpu.memory_space<vmem>>
          %dma_wait3A_266 = tpu.memref_squeeze %dma_wait3A_265 : memref<1x8x2048xf32, #tpu.memory_space<vmem>> -> memref<8x2048xf32, #tpu.memory_space<vmem>>
          tpu.wait_dma2 semaphore(%arg12 : memref<!tpu.dma_semaphore, #tpu.memory_space<semaphore_mem>>) src(%dma_wait3A_266 : memref<8x2048xf32, #tpu.memory_space<vmem>>) dst(%dma_wait3A_262 : memref<8x2048xf32, #tpu.memory_space<hbm>>)
        } else {
        }
        %dma_start3A_239 = arith.constant 1 : i32
        %dma_start3A_240 = arith.constant 0 : i32
        %dma_start3A_241 = arith.constant 0 : i32
        %dma_start3A_242 = tpu.memref_slice %arg6[%dma_start3A_239, %dma_start3A_240, %dma_start3A_241] : memref<4x8x2048xf32, #tpu.memory_space<vmem>> -> memref<1x8x2048xf32, #tpu.memory_space<vmem>>
        %dma_start3A_243 = tpu.memref_squeeze %dma_start3A_242 : memref<1x8x2048xf32, #tpu.memory_space<vmem>> -> memref<8x2048xf32, #tpu.memory_space<vmem>>
        %dma_start3A_244 = arith.constant 0 : i32
        %dma_start3A_245 = tpu.memref_slice %arg5[%add3A_202, %dma_start3A_244] : memref<64x8xi32, #tpu.memory_space<vmem>> -> memref<1x8xi32, #tpu.memory_space<vmem>>
        %dma_start3A_246 = tpu.memref_squeeze %dma_start3A_245 : memref<1x8xi32, #tpu.memory_space<vmem>> -> memref<8xi32, #tpu.memory_space<vmem>>
        %dma_start3A_247 = arith.constant 0 : i32
        %dma_start3A_248 = arith.constant 0 : i32
        %dma_start3A_249 = tpu.memref_slice %arg2[%dma_start3A_247, %dma_start3A_248] : memref<8192x2048xf32, #tpu.memory_space<hbm>> -> memref<8192x2048xf32, #tpu.memory_space<hbm>>
        tpu.enqueue_indirect_dma source(%dma_start3A_249 : memref<8192x2048xf32, #tpu.memory_space<hbm>>) target(%dma_start3A_243 : memref<8x2048xf32, #tpu.memory_space<vmem>>) offsets(%dma_start3A_246 : memref<8xi32, #tpu.memory_space<vmem>>) semaphore(%arg8 : memref<!tpu.dma_semaphore, #tpu.memory_space<semaphore_mem>>)
      } else {
      }
      %dma_wait3A_208 = arith.constant 3 : i32
      %dma_wait3A_209 = arith.constant 0 : i32
      %dma_wait3A_210 = arith.constant 0 : i32
      %dma_wait3A_211 = tpu.memref_slice %arg6[%dma_wait3A_208, %dma_wait3A_209, %dma_wait3A_210] : memref<4x8x2048xf32, #tpu.memory_space<vmem>> -> memref<1x8x2048xf32, #tpu.memory_space<vmem>>
      %dma_wait3A_212 = tpu.memref_squeeze %dma_wait3A_211 : memref<1x8x2048xf32, #tpu.memory_space<vmem>> -> memref<8x2048xf32, #tpu.memory_space<vmem>>
      %dma_wait3A_213 = arith.constant 0 : i32
      %dma_wait3A_214 = tpu.memref_slice %arg5[%add3A_200, %dma_wait3A_213] : memref<64x8xi32, #tpu.memory_space<vmem>> -> memref<1x8xi32, #tpu.memory_space<vmem>>
      %dma_wait3A_215 = tpu.memref_squeeze %dma_wait3A_214 : memref<1x8xi32, #tpu.memory_space<vmem>> -> memref<8xi32, #tpu.memory_space<vmem>>
      %dma_wait3A_216 = arith.constant 0 : i32
      %dma_wait3A_217 = arith.constant 0 : i32
      %dma_wait3A_218 = tpu.memref_slice %arg2[%dma_wait3A_216, %dma_wait3A_217] : memref<8192x2048xf32, #tpu.memory_space<hbm>> -> memref<8192x2048xf32, #tpu.memory_space<hbm>>
      tpu.wait_indirect_dma semaphore(%arg10 : memref<!tpu.dma_semaphore, #tpu.memory_space<semaphore_mem>>) src(%dma_wait3A_218 : memref<8192x2048xf32, #tpu.memory_space<hbm>>) dst(%dma_wait3A_212 : memref<8x2048xf32, #tpu.memory_space<vmem>>)
      %mul3A_219 = arith.constant 8 : i32
      %mul3A_220 = arith.muli %add3A_200, %mul3A_219 : i32
      %add3A_221 = arith.addi %mul3A_2, %mul3A_220 : i32
      %dma_start3A_222 = arith.constant 3 : i32
      %dma_start3A_223 = arith.constant 0 : i32
      %dma_start3A_224 = arith.constant 0 : i32
      %dma_start3A_225 = tpu.memref_slice %arg6[%dma_start3A_222, %dma_start3A_223, %dma_start3A_224] : memref<4x8x2048xf32, #tpu.memory_space<vmem>> -> memref<1x8x2048xf32, #tpu.memory_space<vmem>>
      %dma_start3A_226 = tpu.memref_squeeze %dma_start3A_225 : memref<1x8x2048xf32, #tpu.memory_space<vmem>> -> memref<8x2048xf32, #tpu.memory_space<vmem>>
      %dma_start3A_227 = arith.constant 0 : i32
      %dma_start3A_228 = tpu.memref_slice %arg4[%add3A_221, %dma_start3A_227] : memref<16384x2048xf32, #tpu.memory_space<hbm>> -> memref<8x2048xf32, #tpu.memory_space<hbm>>
      %dma_start3A_229 = arith.constant 0 : i32
      %dma_start3A_230 = tpu.memref_slice %arg4[%add3A_221, %dma_start3A_229] : memref<16384x2048xf32, #tpu.memory_space<hbm>> -> memref<8x2048xf32, #tpu.memory_space<hbm>>
      %dma_start3A_231 = arith.constant 0 : i32
      %dma_start3A_232 = arith.constant 0 : i32
      %dma_start3A_233 = tpu.memref_slice %arg6[%dma_start3A_222, %dma_start3A_231, %dma_start3A_232] : memref<4x8x2048xf32, #tpu.memory_space<vmem>> -> memref<1x8x2048xf32, #tpu.memory_space<vmem>>
      %dma_start3A_234 = tpu.memref_squeeze %dma_start3A_233 : memref<1x8x2048xf32, #tpu.memory_space<vmem>> -> memref<8x2048xf32, #tpu.memory_space<vmem>>
      tpu.enqueue_dma source(%dma_start3A_234 : memref<8x2048xf32, #tpu.memory_space<vmem>>) target(%dma_start3A_230 : memref<8x2048xf32, #tpu.memory_space<hbm>>) target_semaphore(%arg14 : memref<!tpu.dma_semaphore, #tpu.memory_space<semaphore_mem>>)
    }
    %scan3A_29 = arith.constant 16 : i32
    %add3A_30 = arith.constant 480 : i32
    %add3A_31 = arith.addi %mul3A_2, %add3A_30 : i32
    %dma_wait3A = arith.constant 0 : i32
    %dma_wait3A_32 = arith.constant 0 : i32
    %dma_wait3A_33 = arith.constant 0 : i32
    %dma_wait3A_34 = tpu.memref_slice %arg6[%dma_wait3A, %dma_wait3A_32, %dma_wait3A_33] : memref<4x8x2048xf32, #tpu.memory_space<vmem>> -> memref<1x8x2048xf32, #tpu.memory_space<vmem>>
    %dma_wait3A_35 = tpu.memref_squeeze %dma_wait3A_34 : memref<1x8x2048xf32, #tpu.memory_space<vmem>> -> memref<8x2048xf32, #tpu.memory_space<vmem>>
    %dma_wait3A_36 = arith.constant 0 : i32
    %dma_wait3A_37 = tpu.memref_slice %arg4[%add3A_31, %dma_wait3A_36] : memref<16384x2048xf32, #tpu.memory_space<hbm>> -> memref<8x2048xf32, #tpu.memory_space<hbm>>
    %dma_wait3A_38 = arith.constant 0 : i32
    %dma_wait3A_39 = tpu.memref_slice %arg4[%add3A_31, %dma_wait3A_38] : memref<16384x2048xf32, #tpu.memory_space<hbm>> -> memref<8x2048xf32, #tpu.memory_space<hbm>>
    %dma_wait3A_40 = arith.constant 0 : i32
    %dma_wait3A_41 = arith.constant 0 : i32
    %dma_wait3A_42 = tpu.memref_slice %arg6[%dma_wait3A, %dma_wait3A_40, %dma_wait3A_41] : memref<4x8x2048xf32, #tpu.memory_space<vmem>> -> memref<1x8x2048xf32, #tpu.memory_space<vmem>>
    %dma_wait3A_43 = tpu.memref_squeeze %dma_wait3A_42 : memref<1x8x2048xf32, #tpu.memory_space<vmem>> -> memref<8x2048xf32, #tpu.memory_space<vmem>>
    tpu.wait_dma2 semaphore(%arg11 : memref<!tpu.dma_semaphore, #tpu.memory_space<semaphore_mem>>) src(%dma_wait3A_43 : memref<8x2048xf32, #tpu.memory_space<vmem>>) dst(%dma_wait3A_39 : memref<8x2048xf32, #tpu.memory_space<hbm>>)
    %add3A_44 = arith.constant 488 : i32
    %add3A_45 = arith.addi %mul3A_2, %add3A_44 : i32
    %dma_wait3A_46 = arith.constant 1 : i32
    %dma_wait3A_47 = arith.constant 0 : i32
    %dma_wait3A_48 = arith.constant 0 : i32
    %dma_wait3A_49 = tpu.memref_slice %arg6[%dma_wait3A_46, %dma_wait3A_47, %dma_wait3A_48] : memref<4x8x2048xf32, #tpu.memory_space<vmem>> -> memref<1x8x2048xf32, #tpu.memory_space<vmem>>
    %dma_wait3A_50 = tpu.memref_squeeze %dma_wait3A_49 : memref<1x8x2048xf32, #tpu.memory_space<vmem>> -> memref<8x2048xf32, #tpu.memory_space<vmem>>
    %dma_wait3A_51 = arith.constant 0 : i32
    %dma_wait3A_52 = tpu.memref_slice %arg4[%add3A_45, %dma_wait3A_51] : memref<16384x2048xf32, #tpu.memory_space<hbm>> -> memref<8x2048xf32, #tpu.memory_space<hbm>>
    %dma_wait3A_53 = arith.constant 0 : i32
    %dma_wait3A_54 = tpu.memref_slice %arg4[%add3A_45, %dma_wait3A_53] : memref<16384x2048xf32, #tpu.memory_space<hbm>> -> memref<8x2048xf32, #tpu.memory_space<hbm>>
    %dma_wait3A_55 = arith.constant 0 : i32
    %dma_wait3A_56 = arith.constant 0 : i32
    %dma_wait3A_57 = tpu.memref_slice %arg6[%dma_wait3A_46, %dma_wait3A_55, %dma_wait3A_56] : memref<4x8x2048xf32, #tpu.memory_space<vmem>> -> memref<1x8x2048xf32, #tpu.memory_space<vmem>>
    %dma_wait3A_58 = tpu.memref_squeeze %dma_wait3A_57 : memref<1x8x2048xf32, #tpu.memory_space<vmem>> -> memref<8x2048xf32, #tpu.memory_space<vmem>>
    tpu.wait_dma2 semaphore(%arg12 : memref<!tpu.dma_semaphore, #tpu.memory_space<semaphore_mem>>) src(%dma_wait3A_58 : memref<8x2048xf32, #tpu.memory_space<vmem>>) dst(%dma_wait3A_54 : memref<8x2048xf32, #tpu.memory_space<hbm>>)
    %add3A_59 = arith.constant 496 : i32
    %add3A_60 = arith.addi %mul3A_2, %add3A_59 : i32
    %dma_wait3A_61 = arith.constant 2 : i32
    %dma_wait3A_62 = arith.constant 0 : i32
    %dma_wait3A_63 = arith.constant 0 : i32
    %dma_wait3A_64 = tpu.memref_slice %arg6[%dma_wait3A_61, %dma_wait3A_62, %dma_wait3A_63] : memref<4x8x2048xf32, #tpu.memory_space<vmem>> -> memref<1x8x2048xf32, #tpu.memory_space<vmem>>
    %dma_wait3A_65 = tpu.memref_squeeze %dma_wait3A_64 : memref<1x8x2048xf32, #tpu.memory_space<vmem>> -> memref<8x2048xf32, #tpu.memory_space<vmem>>
    %dma_wait3A_66 = arith.constant 0 : i32
    %dma_wait3A_67 = tpu.memref_slice %arg4[%add3A_60, %dma_wait3A_66] : memref<16384x2048xf32, #tpu.memory_space<hbm>> -> memref<8x2048xf32, #tpu.memory_space<hbm>>
    %dma_wait3A_68 = arith.constant 0 : i32
    %dma_wait3A_69 = tpu.memref_slice %arg4[%add3A_60, %dma_wait3A_68] : memref<16384x2048xf32, #tpu.memory_space<hbm>> -> memref<8x2048xf32, #tpu.memory_space<hbm>>
    %dma_wait3A_70 = arith.constant 0 : i32
    %dma_wait3A_71 = arith.constant 0 : i32
    %dma_wait3A_72 = tpu.memref_slice %arg6[%dma_wait3A_61, %dma_wait3A_70, %dma_wait3A_71] : memref<4x8x2048xf32, #tpu.memory_space<vmem>> -> memref<1x8x2048xf32, #tpu.memory_space<vmem>>
    %dma_wait3A_73 = tpu.memref_squeeze %dma_wait3A_72 : memref<1x8x2048xf32, #tpu.memory_space<vmem>> -> memref<8x2048xf32, #tpu.memory_space<vmem>>
    tpu.wait_dma2 semaphore(%arg13 : memref<!tpu.dma_semaphore, #tpu.memory_space<semaphore_mem>>) src(%dma_wait3A_73 : memref<8x2048xf32, #tpu.memory_space<vmem>>) dst(%dma_wait3A_69 : memref<8x2048xf32, #tpu.memory_space<hbm>>)
    %add3A_74 = arith.constant 504 : i32
    %add3A_75 = arith.addi %mul3A_2, %add3A_74 : i32
    %dma_wait3A_76 = arith.constant 3 : i32
    %dma_wait3A_77 = arith.constant 0 : i32
    %dma_wait3A_78 = arith.constant 0 : i32
    %dma_wait3A_79 = tpu.memref_slice %arg6[%dma_wait3A_76, %dma_wait3A_77, %dma_wait3A_78] : memref<4x8x2048xf32, #tpu.memory_space<vmem>> -> memref<1x8x2048xf32, #tpu.memory_space<vmem>>
    %dma_wait3A_80 = tpu.memref_squeeze %dma_wait3A_79 : memref<1x8x2048xf32, #tpu.memory_space<vmem>> -> memref<8x2048xf32, #tpu.memory_space<vmem>>
    %dma_wait3A_81 = arith.constant 0 : i32
    %dma_wait3A_82 = tpu.memref_slice %arg4[%add3A_75, %dma_wait3A_81] : memref<16384x2048xf32, #tpu.memory_space<hbm>> -> memref<8x2048xf32, #tpu.memory_space<hbm>>
    %dma_wait3A_83 = arith.constant 0 : i32
    %dma_wait3A_84 = tpu.memref_slice %arg4[%add3A_75, %dma_wait3A_83] : memref<16384x2048xf32, #tpu.memory_space<hbm>> -> memref<8x2048xf32, #tpu.memory_space<hbm>>
    %dma_wait3A_85 = arith.constant 0 : i32
    %dma_wait3A_86 = arith.constant 0 : i32
    %dma_wait3A_87 = tpu.memref_slice %arg6[%dma_wait3A_76, %dma_wait3A_85, %dma_wait3A_86] : memref<4x8x2048xf32, #tpu.memory_space<vmem>> -> memref<1x8x2048xf32, #tpu.memory_space<vmem>>
    %dma_wait3A_88 = tpu.memref_squeeze %dma_wait3A_87 : memref<1x8x2048xf32, #tpu.memory_space<vmem>> -> memref<8x2048xf32, #tpu.memory_space<vmem>>
    tpu.wait_dma2 semaphore(%arg14 : memref<!tpu.dma_semaphore, #tpu.memory_space<semaphore_mem>>) src(%dma_wait3A_88 : memref<8x2048xf32, #tpu.memory_space<vmem>>) dst(%dma_wait3A_84 : memref<8x2048xf32, #tpu.memory_space<hbm>>)
    return
  }
}

</mosaic_0001>

<sc_bundles>
// kernel: _sc_gather.3.cloned.1.call-start
scs
__scs_entry_jumppad:
0x0: {  	(pc) =	sbr.rel $0x88, $3  }
0x1: {  	(tag) =	ssettag $0x0;
	lr =	simm.s32 $0x1  }
0x2: {  	[smem:$0x3F9F] =	sst lr;
	_ =	strace $0xD0000000  }
0x3: {  	_ = 	snop  }
0x4: {  	_ = 	snop  }
0x5: {  	_ = 	snop  }
0x6: {  	_ = 	snop  }
0x7: {  	_ = 	snop  }
__scs_overlays_trampoline_lowered:
0x8: {  	[smem:$0x3FAE] =	sst s0  }
0x9: {  	[smem:$0x3FAF] =	sst s1  }
0xa: {  	[smem:$0x3FB0] =	sst s2  }
0xb: {  	[smem:$0x3FB1] =	sst s3  }
0xc: {  	[smem:$0x3FB2] =	sst s4  }
0xd: {  	[smem:$0x3FB3] =	sst s5  }
0xe: {  	[smem:$0x3FB4] =	sst s6  }
0xf: {  	[smem:$0x3FB5] =	sst s7  }
0x10: {  	[smem:$0x3FB6] =	sst s8  }
0x11: {  	[smem:$0x3FB7] =	sst s9;
	s0 =	simm.s32 @!p0 $0x0  }
0x12: {  	s1 =	sld [smem:$0x3F9D];
	s0 =	simm.s32 @p0 $0x1  }
0x13: {  	[smem:$0x3FB8] =	sst s0;
	s0 =	simm.s32 @!p1 $0x0  }
0x14: {  	s2 =	sld [smem:$0x3F9C];
	s0 =	simm.s32 @p1 $0x1  }
0x15: {  	[smem:$0x3FB9] =	sst s0;
	s0 =	simm.s32 @!p2 $0x0  }
0x16: {  	s3 =	sld [smem:$0x3FDB];
	s0 =	simm.s32 @p2 $0x1  }
0x17: {  	s4 =	simm.s32 $0x1BF5;
	[smem:$0x3FBB] =	sst s0  }
0x18: {  	s0 =	sld [smem:$0x3F9E];
	_ =	swait.ge [sflag:s4], $0x0  }
0x19: {  	s7 =	sld [smem:$0x3F9F]  }
0x1a: {  	s8 =	sadd.s32 $0xFFFFE003, lr  }
0x1b: {  	s9 =	sadd.s32 $0xFFFFFEF7, lr;
	s5 =	simm.s32 $0xFFFFFFFF;
	p2 =	slt.u32 s8, $0xFFFFF086  }
0x1c: {  	p1 =	slt.u32 s9, $0xF7A;
	s5 =	simm.s32 @!p2 $0x0  }
0x1d: {  	s5 =	simm.s32 @p1 $0x1;
	p0 =	seq.s32 s7, s2  }
0x1e: {  	s7 =	smul.u32 @!p0 $0xF7A, s2;
	p2 =	seq.s32 @!p0 s5, $0x0  }
0x1f: {  	s9 =	smul.u32 $0xF7A, s1;
	s8 =	simm.s32 @!p0 $0x1BF5;
	p2 =	por !p2, p0  }
0x20: {  	[sflag:s8] =	ssyncset.s32 @!p0 $0xFFFFF086;
	s6 =	sadd.s32 @!p0 s3, s7;
	s7 =	simm.s32 @!p0 $0x108  }
0x21: {  	s3 =	sadd.s32 s3, s9;
	s6 =	sadd.s32 @!p0 $0x88, s6;
	s7 =	simm.s32 @p2 $0x1082  }
0x22: {  	[simem:s7], [sflag:s8] =	dma.local @!p0 [hbm:s6], $0xF7A  }
0x23: {  	s9 =	sor.u32 $0xD0000000, s2;
	s6 =	simm.s32 $0x108;
	_ =	swait.ge @!p0 [sflag:s8], $0x0  }
0x24: {  	s3 =	sadd.s32 $0x88, s3;
	s6 =	simm.s32 @!p1 $0x1082;
	[sflag:s4] =	ssyncset.s32 $0xFFFFF086  }
0x25: {  	[simem:s6], [sflag:s4] =	dma.local [hbm:s3], $0xF7A  }
0x26: {  	[smem:$0x3F9F] =	sst s1;
	(tag) =	ssettag s2;
	_ =	strace s9  }
0x27: {  	s1 =	sld [smem:$0x3FAF]  }
0x28: {  	s2 =	sld [smem:$0x3FB0]  }
0x29: {  	s4 =	sld [smem:$0x3FB2]  }
0x2a: {  	p0 =	seq.s32 s5, $0x0;
	s5 =	sld [smem:$0x3FB3]  }
0x2b: {  	s6 =	sld [smem:$0x3FB4]  }
0x2c: {  	s7 =	sld [smem:$0x3FB5]  }
0x2d: {  	s3 =	simm.s32 $0x108;
	s8 =	sld [smem:$0x3FB6]  }
0x2e: {  	s3 =	simm.s32 @!p0 $0x1082;
	s9 =	sld [smem:$0x3FB7]  }
0x2f: {  	lr =	sadd.s32 s0, s3;
	s0 =	sld [smem:$0x3FAE]  }
0x30: {  	s3 =	sld [smem:$0x3FB1]  }
0x31: {  	[smem:$0x3FBA] =	sst s10  }
0x32: {  	s10 =	sld [smem:$0x3FB8];
	_ =	sdelay $0x3  }
0x33: {  	p0 =	seq.s32 s10, $0x1;
	s10 =	sld [smem:$0x3FBA];
	_ =	sdelay $0x3  }
0x34: {  	[smem:$0x3FBA] =	sst s10  }
0x35: {  	s10 =	sld [smem:$0x3FB9];
	_ =	sdelay $0x3  }
0x36: {  	p1 =	seq.s32 s10, $0x1;
	s10 =	sld [smem:$0x3FBA];
	_ =	sdelay $0x3  }
0x37: {  	[smem:$0x3FBA] =	sst s10  }
0x38: {  	s10 =	sld [smem:$0x3FBB]  }
0x39: {  	_ = 	snop;
	(pc) =	sbr.ind lr, $3  }
0x3a: {  	_ = 	snop  }
0x3b: {  	_ = 	snop  }
0x3c: {  	p2 =	seq.s32 s10, $0x1;
	s10 =	sld [smem:$0x3FBA]  }
0x3d: {  	_ =	shalt  }
0x3e: {  	_ =	shalt  }
0x3f: {  	_ =	shalt  }
0x40: {  	_ =	shalt  }
0x41: {  	_ =	shalt  }
0x42: {  	_ =	shalt  }
0x43: {  	_ =	shalt  }
0x44: {  	_ =	shalt  }
0x45: {  	_ =	shalt  }
0x46: {  	_ =	shalt  }
0x47: {  	_ =	shalt  }
0x48: {  	_ =	shalt  }
0x49: {  	_ =	shalt  }
0x4a: {  	_ =	shalt  }
0x4b: {  	_ =	shalt  }
0x4c: {  	_ =	shalt  }
0x4d: {  	_ =	shalt  }
0x4e: {  	_ =	shalt  }
0x4f: {  	_ =	shalt  }
0x50: {  	_ =	shalt  }
0x51: {  	_ =	shalt  }
0x52: {  	_ =	shalt  }
0x53: {  	_ =	shalt  }
0x54: {  	_ =	shalt  }
0x55: {  	_ =	shalt  }
0x56: {  	_ =	shalt  }
0x57: {  	_ =	shalt  }
0x58: {  	_ =	shalt  }
0x59: {  	_ =	shalt  }
0x5a: {  	_ =	shalt  }
0x5b: {  	_ =	shalt  }
0x5c: {  	_ =	shalt  }
0x5d: {  	_ =	shalt  }
0x5e: {  	_ =	shalt  }
0x5f: {  	_ =	shalt  }
0x60: {  	_ =	shalt  }
0x61: {  	_ =	shalt  }
0x62: {  	_ =	shalt  }
0x63: {  	_ =	shalt  }
0x64: {  	_ =	shalt  }
0x65: {  	_ =	shalt  }
0x66: {  	_ =	shalt  }
0x67: {  	_ =	shalt  }
0x68: {  	_ =	shalt  }
0x69: {  	_ =	shalt  }
0x6a: {  	_ =	shalt  }
0x6b: {  	_ =	shalt  }
0x6c: {  	_ =	shalt  }
0x6d: {  	_ =	shalt  }
0x6e: {  	_ =	shalt  }
0x6f: {  	_ =	shalt  }
0x70: {  	_ =	shalt  }
0x71: {  	_ =	shalt  }
0x72: {  	_ =	shalt  }
0x73: {  	_ =	shalt  }
0x74: {  	_ =	shalt  }
0x75: {  	_ =	shalt  }
0x76: {  	_ =	shalt  }
0x77: {  	_ =	shalt  }
0x78: {  	_ =	shalt  }
0x79: {  	_ =	shalt  }
0x7a: {  	_ =	shalt  }
0x7b: {  	_ =	shalt  }
0x7c: {  	_ =	shalt  }
0x7d: {  	_ =	shalt  }
0x7e: {  	_ =	shalt  }
0x7f: {  	_ =	shalt  }
0x80: {  	_ =	shalt  }
0x81: {  	_ =	shalt  }
0x82: {  	_ =	shalt  }
0x83: {  	_ =	shalt  }
0x84: {  	_ =	shalt  }
0x85: {  	_ =	shalt  }
0x86: {  	_ =	shalt  }
0x87: {  	_ =	shalt  }
.Lfunc_end0:
.L_simem_size_0:
called_computation_lowered:
.L_overlay_start_0:
0x88: {  	s2 =	sld [smem:$0x3FD9]  }
0x89: {  	s3 =	sld [smem:$0x3FFE];
	_ =	sdelay $0x1  }
0x8a: {  	s1 =	srdreg.scid  }
0x8b: {  	s0 =	sand.u32 $0x1, s1  }
0x8c: {  	s17 =	sshll.u32 s0, $0xA;
	s2 =	sadd.s32 s3, s2  }
0x8d: {  	s2 =	sadd.s32 s2, s17  }
0x8e: {  	[smem:$0x3FC6] =	sst s2  }
0x8f: {  	_ = 	snop  }
0x90: {  	s2 =	sld [smem:$0x3FC9]  }
0x91: {  	s18 =	sld [smem:$0x3FD0];
	(tm) =	ssettm $0x1  }
0x92: {  	s4 =	sld [smem:$0x3FFB];
	_ =	sdelay $0x3  }
0x93: {  	_ =	strace s4  }
0x94: {  	s4 =	sld [smem:$0x3FFC];
	_ =	sdelay $0x3  }
0x95: {  	_ =	strace s4  }
0x96: {  	s4 =	sld [smem:$0x3FFD];
	_ =	sdelay $0x3  }
0x97: {  	_ =	strace s4  }
0x98: {  	_ =	strace $0x8FFFFFFF  }
0x99: {  	s19 =	sld [smem:$0x3FDB];
	_ =	sdelay $0x1  }
0x9a: {  	s5 =	simm.s32 $_scs_section_size  }
0x9b: {  	s6 =	simm.s32 $_size__tile_overlayer_lowered;
	s7 =	simm.s32 $_tile_overlayer_lowered  }
0x9c: {  	s22 =	simm.s32 $0x1BFF;
	s21 =	sshll.u32 s7, $0x1;
	s4 =	sadd.s32 s5, s19  }
0x9d: {  	s8 =	simm.s32 $0x0;
	s20 =	sshll.u32 s6, $0x1;
	s6 =	sadd.s32 s21, s4  }
0x9e: {  	[timem:s8], [sflag:s22] =	dma.local [hbm:s6], s20  }
0x9f: {  	_ =	swait.ge [sflag:s22], s20  }
0xa0: {  	s5 =	ssub.s32 $0x0, s20;
	[sflag:s22] =	ssyncset.done $0x0  }
0xa1: {  	[sflag:s22] =	ssyncadd.s32 s5;
	_ =	sdelay $0x1  }
0xa2: {  	s23 =	simm.s32 $0x1B8B  }
0xa3: {  	_ =	swait.ge [sflag:s23], $0x1  }
0xa4: {  	[sflag:s23] =	ssyncset.done $0x0  }
0xa5: {  	s25 =	simm.s32 $0x1B8E;
	s24 =	sld [smem:$0x3FFE];
	[sflag:s23] =	ssyncadd.s32 $0xFFFFFFFF  }
0xa6: {  	s26 =	simm.s32 $execute0_lowered;
	[smem:$0x3FD2] =	sst s25  }
0xa7: {  	s6 =	sshll.u32 s26, $0x1;
	_ =	strace $0x80000046;
	[dreg:$0x1] =	wrdreg $0xFFFFFFFF  }
0xa8: {  	s28 =	simm.s32 $_size_execute0_lowered;
	s4 =	sadd.s32 s4, s6;
	[dreg:$0x0] =	wrdreg $0x0  }
0xa9: {  	s6 =	sshll.u32 s28, $0x1;
	[dreg:$0x2] =	wrdreg s4  }
0xaa: {  	[dreg:$0x3] =	wrdreg s6  }
0xab: {  	[dreg:$0x4] =	wrdreg $0xC0  }
0xac: {  	_ =	task [dreg:s8], $0x5FFFF  }
0xad: {  	[dreg:$0x1] =	wrdreg $0xFFFFFFFF  }
0xae: {  	[dreg:$0x0] =	wrdreg $0x60  }
0xaf: {  	[dreg:$0x2] =	wrdreg s2  }
0xb0: {  	[dreg:$0x3] =	wrdreg s24  }
0xb1: {  	[dreg:$0x4] =	wrdreg s18  }
0xb2: {  	[dreg:$0x5] =	wrdreg $0x9  }
0xb3: {  	_ =	task.clear_ibuf [dreg:s8], $0x6FFFF;
	_ =	strace $0x90000046  }
0xb4: {  	s29 =	simm.s32 $0x9;
	_ =	strace $0x80000048  }
0xb5: {  	_ =	swait.ge [sflag:s29], $0x1  }
0xb6: {  	[sflag:s29] =	ssyncadd.s32 $0xFFFFFFFF  }
0xb7: {  	_ =	strace $0x90000048  }
0xb8: {  	_ =	sfence  }
0xb9: {  	s30 =	sld [smem:$0x0];
	_ =	sdelay $0x2  }
0xba: {  	s31 =	sshll.u32 s1, $0xD;
	s1 =	sshrl.u32 s1, $0x2  }
0xbb: {  	s3 =	sand.u32 $0x4000, s31;
	s1 =	sadd.s32 s1, s30  }
0xbc: {  	s0 =	sor.u32 s3, s0;
	s1 =	sshll.u32 s1, $0x11  }
0xbd: {  	s0 =	sor.u32 s1, s0  }
0xbe: {  	s0 =	sadd.s32 $0x8F2B, s0  }
0xbf: {  	[sflag:s0] =	ssyncadd.remote.s32 $0x1  }
0xc0: {  	_ =	sfence.sel $0xFFFF  }
0xc1: {  	[dreg:$0x0] =	wrdreg $0xFFFFFFFF;
	(pc) =	sbr.abs _section_cstart, $3  }
0xc2: {  	[dreg:$0x1] =	wrdreg $0xFFFFFFFF  }
0xc3: {  	_ =	task.clear_ibuf [dreg:s8], $0x2FFFF;
	_ =	strace $0x9FFFFFFF  }
0xc4: {  	(tm) =	ssettm $0x7FFFFFFF  }
0xc5: {  	_ =	shalt  }
tec
execute0_lowered:
.L_overlay_start_1:
0x0: {  	(tag) =	ssettag $0x1  }
0x1: {  	s1 =	rddreg [dreg:$0x0]  }
0x2: {  	s0 =	rddreg [dreg:$0x1]  }
0x3: {  	s2 =	rddreg [dreg:$0x2]  }
0x4: {  	s4 =	srdreg.scid;
	s14 =	stileid.u32;
	s3 =	simm.s32 $0x0  }
0x5: {  	s16 =	simm.s32 $0x2000;
	s21 =	simm.s32 $0x1;
	s22 =	simm.s32 $0xE000  }
0x6: {  	s28 =	simm.s32 $0x10000;
	s29 =	simm.s32 $0x10800;
	s30 =	simm.s32 $0x11000  }
0x7: {  	s31 =	simm.s32 $0x11800;
	s15 =	simm.s32 $0x6;
	s19 =	simm.s32 $0x0  }
0x8: {  	s4 =	sand.u32 $0x1, s4;
	s5 =	sshll.u32 s14, $0x1;
	[smem:$0x7FF] =	sst s3  }
0x9: {  	s9 =	sadd.s32 $0x500, s1;
	s10 =	sadd.s32 $0x600, s1;
	s11 =	sadd.s32 $0x700, s1  }
0xa: {  	s23 =	sshll.u32 s14, $0x12;
	s5 =	sor.u32 s4, s5;
	s6 =	ssub.s32 $0x2, s4  }
0xb: {  	_ =	strace $0x80000047;
	s24 =	sshll.u32 s4, $0x11;
	s4 =	simm.s32 $0x4  }
0xc: {  	s7 =	sshll.u32 s5, $0xA;
	s8 =	sshrl.u32 s6, $0x1;
	s13 =	sshll.u32 s5, $0x11  }
0xd: {  	s5 =	sadd.s32 $0x100, s1;
	s0 =	sadd.s32 s7, s0;
	s12 =	ssub.s32 s6, s8  }
0xe: {  	s6 =	sadd.s32 $0x200, s1;
	s7 =	sadd.s32 $0x300, s1;
	s13 =	sadd.s32 s13, s2  }
0xf: {  	s8 =	sadd.s32 $0x400, s1;
	s0 =	sadd.s32 $0x400, s0;
	s25 =	sadd.s32 $0x1F000, s13  }
.Ltmp0:
0x10: {  	s26 =	smax.u32 s12, $0x1;
	[dreg:$0x4] =	wrdreg s0;
	(pc) =	sbr.rel .LBB2_1-.Ltmp0, $4  }
0x11: {  	s12 =	simm.s32 $0x3;
	s13 =	simm.s32 $0x5;
	[dreg:$0x5] =	wrdreg s25  }
0x12: {  	v0 =	vlaneseq.u32;
	s0 =	sadd.s32 s23, s2;
	[dreg:$0x6] =	wrdreg s26;
	s2 =	simm.s32 $0xA000  }
0x13: {  	v1 =	vshrl.u32 v0, $0x3;
	s23 =	simm.s32 $0xE800;
	s25 =	simm.s32 $0xF000;
	s26 =	simm.s32 $0xF800  }
0x14: {  	vm0 =	vmmov $0xffff;
	v0 =	vand.u32 $0x7, v0;
	v1 =	vmul.u32 $0x8, v1;
	s14 =	sadd.s32 s24, s0;
	s24 =	simm.s32 $0x6000;
	s0 =	simm.s32 $0x2  }
.LBB2_6:
0x15: {  	_ =	swait.ge [sflag:s13], $0x4000  }
0x16: {  	[sflag:s13] =	ssyncset.done $0x0  }
0x17: {  	[sflag:s13] =	ssyncadd.s32 $0xFFFFC000  }
0x18: {  	_ =	swait.ge [sflag:s15], $0x4000  }
0x19: {  	[sflag:s15] =	ssyncset.done $0x0  }
0x1a: {  	s17 =	simm.s32 $0x7;
	[sflag:s15] =	ssyncadd.s32 $0xFFFFC000  }
0x1b: {  	_ =	swait.ge [sflag:s17], $0x4000  }
0x1c: {  	[sflag:s17] =	ssyncset.done $0x0  }
0x1d: {  	s18 =	simm.s32 $0x8;
	[sflag:s17] =	ssyncadd.s32 $0xFFFFC000  }
0x1e: {  	_ =	swait.ge [sflag:s18], $0x4000  }
0x1f: {  	s19 =	rddreg [dreg:$0x7]  }
0x20: {  	s20 =	rddreg [dreg:$0x6];
	s19 =	sadd.s32 $0x1, s19  }
0x21: {  	p0 =	sne.s32 s19, s20  }
.Ltmp1:
0x22: {  	_ = 	snop;
	(pc) =	sbr.rel @!p0 .LBB2_7-.Ltmp1, $3  }
0x23: {  	_ =	sdelay $0x1  }
0x24: {  	[sflag:s18] =	ssyncset.done $0x0  }
0x25: {  	[sflag:s18] =	ssyncadd.s32 $0xFFFFC000  }
.LBB2_1:
0x26: {  	[dreg:$0x7] =	wrdreg s19  }
0x27: {  	s17 =	rddreg [dreg:$0x4];
	s18 =	simm.s32 $0x9  }
0x28: {  	[tilespmem:s3], [sflag:$0x9] =	stream.linear.gather [hbm4b:s17+s3], $0x2000, $0x38;
	[tilespmem:$0x12000] =	vst v63  }
0x29: {  	_ =	swait.ge [sflag:s18], $0x2000  }
0x2a: {  	[sflag:s18] =	ssyncset.done $0x0  }
0x2b: {  	[sflag:s18] =	ssyncadd.s32 $0xFFFFE000  }
0x2c: {  	v2 =	vld.msk [tilespmem:$0x0], $0xff;
	_ =	sdelay $0x4  }
0x2d: {  	v3 =	vshll.u32 v2, $0x4  }
0x2e: {  	v2 =	vand.u32 $0x7, v2;
	v3 =	vand.u32 $0xFFFFFF80, v3  }
0x2f: {  	v2 =	vor.u32 v2, v3  }
0x30: {  	v2 =	vperm.xlane v2, v0;
	_ =	sdelay $0x1  }
0x31: {  	v2 =	vadd.s32 v1, v2;
	_ =	sdelay $0x4  }
0x32: {  	[tilespmem:s16], [sflag:$0x1] =	stream.indirect_vreg.gather [hbm4b:s1+s3], $0x80, v2, vm0, $0xb8;
	[tilespmem:$0x12000] =	vst v63  }
0x33: {  	s19 =	simm.s32 $0x2800  }
0x34: {  	[tilespmem:s19], [sflag:$0x1] =	stream.indirect_vreg.gather [hbm4b:s5+s3], $0x80, v2, vm0, $0xb8;
	[tilespmem:$0x12000] =	vst v63  }
0x35: {  	s20 =	simm.s32 $0x3000  }
0x36: {  	[tilespmem:s20], [sflag:$0x1] =	stream.indirect_vreg.gather [hbm4b:s6+s3], $0x80, v2, vm0, $0xb8;
	[tilespmem:$0x12000] =	vst v63  }
0x37: {  	s18 =	simm.s32 $0x3800  }
0x38: {  	[tilespmem:s18], [sflag:$0x1] =	stream.indirect_vreg.gather [hbm4b:s7+s3], $0x80, v2, vm0, $0xb8;
	[tilespmem:$0x12000] =	vst v63  }
0x39: {  	s19 =	simm.s32 $0x4000  }
0x3a: {  	[tilespmem:s19], [sflag:$0x1] =	stream.indirect_vreg.gather [hbm4b:s8+s3], $0x80, v2, vm0, $0xb8;
	[tilespmem:$0x12000] =	vst v63  }
0x3b: {  	s20 =	simm.s32 $0x4800  }
0x3c: {  	[tilespmem:s20], [sflag:$0x1] =	stream.indirect_vreg.gather [hbm4b:s9+s3], $0x80, v2, vm0, $0xb8;
	[tilespmem:$0x12000] =	vst v63  }
0x3d: {  	s18 =	simm.s32 $0x5000  }
0x3e: {  	[tilespmem:s18], [sflag:$0x1] =	stream.indirect_vreg.gather [hbm4b:s10+s3], $0x80, v2, vm0, $0xb8;
	[tilespmem:$0x12000] =	vst v63  }
0x3f: {  	s19 =	simm.s32 $0x5800  }
0x40: {  	[tilespmem:s19], [sflag:$0x1] =	stream.indirect_vreg.gather [hbm4b:s11+s3], $0x80, v2, vm0, $0xb8;
	[tilespmem:$0x12000] =	vst v63  }
0x41: {  	v2 =	vld.msk [tilespmem:$0x80], $0xff;
	_ =	sdelay $0x4  }
0x42: {  	v3 =	vshll.u32 v2, $0x4  }
0x43: {  	v2 =	vand.u32 $0x7, v2;
	v3 =	vand.u32 $0xFFFFFF80, v3  }
0x44: {  	v2 =	vor.u32 v2, v3  }
0x45: {  	v2 =	vperm.xlane v2, v0;
	_ =	sdelay $0x1  }
0x46: {  	v2 =	vadd.s32 v1, v2;
	_ =	sdelay $0x4  }
0x47: {  	[tilespmem:s24], [sflag:$0x2] =	stream.indirect_vreg.gather [hbm4b:s1+s3], $0x80, v2, vm0, $0xb8;
	[tilespmem:$0x12000] =	vst v63  }
0x48: {  	s20 =	simm.s32 $0x6800  }
0x49: {  	[tilespmem:s20], [sflag:$0x2] =	stream.indirect_vreg.gather [hbm4b:s5+s3], $0x80, v2, vm0, $0xb8;
	[tilespmem:$0x12000] =	vst v63  }
0x4a: {  	s18 =	simm.s32 $0x7000  }
0x4b: {  	[tilespmem:s18], [sflag:$0x2] =	stream.indirect_vreg.gather [hbm4b:s6+s3], $0x80, v2, vm0, $0xb8;
	[tilespmem:$0x12000] =	vst v63  }
0x4c: {  	s19 =	simm.s32 $0x7800  }
0x4d: {  	[tilespmem:s19], [sflag:$0x2] =	stream.indirect_vreg.gather [hbm4b:s7+s3], $0x80, v2, vm0, $0xb8;
	[tilespmem:$0x12000] =	vst v63  }
0x4e: {  	s20 =	simm.s32 $0x8000  }
0x4f: {  	[tilespmem:s20], [sflag:$0x2] =	stream.indirect_vreg.gather [hbm4b:s8+s3], $0x80, v2, vm0, $0xb8;
	[tilespmem:$0x12000] =	vst v63  }
0x50: {  	s18 =	simm.s32 $0x8800  }
0x51: {  	[tilespmem:s18], [sflag:$0x2] =	stream.indirect_vreg.gather [hbm4b:s9+s3], $0x80, v2, vm0, $0xb8;
	[tilespmem:$0x12000] =	vst v63  }
.Ltmp2:
0x52: {  	_ = 	snop;
	(pc) =	sbr.rel .LBB2_2-.Ltmp2, $4  }
0x53: {  	s19 =	simm.s32 $0x9000  }
0x54: {  	[tilespmem:s19], [sflag:$0x2] =	stream.indirect_vreg.gather [hbm4b:s10+s3], $0x80, v2, vm0, $0xb8;
	[tilespmem:$0x12000] =	vst v63  }
0x55: {  	s17 =	simm.s32 $0x180;
	s20 =	simm.s32 $0x9800;
	s18 =	simm.s32 $0x0  }
0x56: {  	[tilespmem:s20], [sflag:$0x2] =	stream.indirect_vreg.gather [hbm4b:s11+s3], $0x80, v2, vm0, $0xb8;
	[tilespmem:$0x12000] =	vst v63  }
.LBB2_4:
0x57: {  	_ =	swait.ge [sflag:s12], $0x4000  }
0x58: {  	[sflag:s12] =	ssyncset.done $0x0  }
0x59: {  	s20 =	rddreg [dreg:$0x5];
	[sflag:s12] =	ssyncadd.s32 $0xFFFFC000  }
0x5a: {  	[hbm4b:s20+s3] =	stream.linear.scatter [tilespmem:s2], [sflag:$0x7], $0x4000, $0x38;
	[tilespmem:$0x12000] =	vst v63  }
.LBB2_5:
0x5b: {  	s18 =	sadd.s32 $0x2000, s18  }
0x5c: {  	p0 =	sne.s32 s18, $0x20000  }
.Ltmp3:
0x5d: {  	_ = 	snop;
	(pc) =	sbr.rel @!p0 .LBB2_6-.Ltmp3, $4  }
0x5e: {  	_ =	swait.ge [sflag:s4], $0x4000  }
0x5f: {  	[sflag:s4] =	ssyncset.done $0x0  }
0x60: {  	s19 =	sadd.s32 $0x1800, s19;
	s17 =	sadd.s32 $0x200, s17;
	[sflag:s4] =	ssyncadd.s32 $0xFFFFC000  }
0x61: {  	[hbm4b:s19+s3] =	stream.linear.scatter [tilespmem:s22], [sflag:$0x8], $0x4000, $0x38;
	[tilespmem:$0x12000] =	vst v63  }
.LBB2_2:
0x62: {  	p0 =	seq.s32 s18, $0x0  }
0x63: {  	s19 =	simm.s32 @!p0 $0x7  }
0x64: {  	_ =	swait.ge @!p0 [sflag:s19], $0x4000  }
0x65: {  	[sflag:s19] =	ssyncset.done @!p0 $0x0  }
0x66: {  	[sflag:s19] =	ssyncadd.s32 @!p0 $0xFFFFC000  }
0x67: {  	v2 =	vld.msk [tilespmem:s17+$0xFFFFFF80], $0xff;
	_ =	sdelay $0x4  }
0x68: {  	v3 =	vshll.u32 v2, $0x4  }
0x69: {  	v2 =	vand.u32 $0x7, v2;
	v3 =	vand.u32 $0xFFFFFF80, v3  }
0x6a: {  	v2 =	vor.u32 v2, v3  }
0x6b: {  	v2 =	vperm.xlane v2, v0;
	_ =	sdelay $0x1  }
0x6c: {  	v2 =	vadd.s32 v1, v2;
	_ =	sdelay $0x4  }
0x6d: {  	[tilespmem:s2], [sflag:$0x3] =	stream.indirect_vreg.gather [hbm4b:s1+s3], $0x80, v2, vm0, $0xb8;
	[tilespmem:$0x12000] =	vst v63  }
0x6e: {  	s20 =	simm.s32 $0xA800  }
0x6f: {  	[tilespmem:s20], [sflag:$0x3] =	stream.indirect_vreg.gather [hbm4b:s5+s3], $0x80, v2, vm0, $0xb8;
	[tilespmem:$0x12000] =	vst v63  }
0x70: {  	s20 =	simm.s32 $0xB000  }
0x71: {  	[tilespmem:s20], [sflag:$0x3] =	stream.indirect_vreg.gather [hbm4b:s6+s3], $0x80, v2, vm0, $0xb8;
	[tilespmem:$0x12000] =	vst v63  }
0x72: {  	s20 =	simm.s32 $0xB800  }
0x73: {  	[tilespmem:s20], [sflag:$0x3] =	stream.indirect_vreg.gather [hbm4b:s7+s3], $0x80, v2, vm0, $0xb8;
	[tilespmem:$0x12000] =	vst v63  }
0x74: {  	s20 =	simm.s32 $0xC000  }
0x75: {  	[tilespmem:s20], [sflag:$0x3] =	stream.indirect_vreg.gather [hbm4b:s8+s3], $0x80, v2, vm0, $0xb8;
	[tilespmem:$0x12000] =	vst v63  }
0x76: {  	s20 =	simm.s32 $0xC800  }
0x77: {  	[tilespmem:s20], [sflag:$0x3] =	stream.indirect_vreg.gather [hbm4b:s9+s3], $0x80, v2, vm0, $0xb8;
	[tilespmem:$0x12000] =	vst v63  }
0x78: {  	s20 =	simm.s32 $0xD000  }
0x79: {  	[tilespmem:s20], [sflag:$0x3] =	stream.indirect_vreg.gather [hbm4b:s10+s3], $0x80, v2, vm0, $0xb8;
	[tilespmem:$0x12000] =	vst v63  }
0x7a: {  	s20 =	simm.s32 $0xD800  }
0x7b: {  	[tilespmem:s20], [sflag:$0x3] =	stream.indirect_vreg.gather [hbm4b:s11+s3], $0x80, v2, vm0, $0xb8;
	[tilespmem:$0x12000] =	vst v63  }
0x7c: {  	_ =	swait.ge [sflag:s21], $0x4000  }
0x7d: {  	[sflag:s21] =	ssyncset.done $0x0  }
0x7e: {  	s19 =	sadd.s32 s18, s14;
	s20 =	simm.s32 @!p0 $0x8;
	[sflag:s21] =	ssyncadd.s32 $0xFFFFC000  }
0x7f: {  	[hbm4b:s19+s3] =	stream.linear.scatter [tilespmem:s16], [sflag:$0x5], $0x4000, $0x38;
	[tilespmem:$0x12000] =	vst v63  }
0x80: {  	_ =	swait.ge @!p0 [sflag:s20], $0x4000  }
0x81: {  	[sflag:s20] =	ssyncset.done @!p0 $0x0  }
0x82: {  	[sflag:s20] =	ssyncadd.s32 @!p0 $0xFFFFC000  }
0x83: {  	v2 =	vld.msk [tilespmem:s17+$0x0], $0xff;
	_ =	sdelay $0x4  }
0x84: {  	v3 =	vshll.u32 v2, $0x4  }
0x85: {  	v2 =	vand.u32 $0x7, v2;
	v3 =	vand.u32 $0xFFFFFF80, v3  }
0x86: {  	v2 =	vor.u32 v2, v3  }
0x87: {  	v2 =	vperm.xlane v2, v0;
	_ =	sdelay $0x1  }
0x88: {  	v2 =	vadd.s32 v1, v2;
	_ =	sdelay $0x4  }
0x89: {  	[tilespmem:s22], [sflag:$0x4] =	stream.indirect_vreg.gather [hbm4b:s1+s3], $0x80, v2, vm0, $0xb8;
	[tilespmem:$0x12000] =	vst v63  }
0x8a: {  	_ = 	snop  }
0x8b: {  	[tilespmem:s23], [sflag:$0x4] =	stream.indirect_vreg.gather [hbm4b:s5+s3], $0x80, v2, vm0, $0xb8;
	[tilespmem:$0x12000] =	vst v63  }
0x8c: {  	_ = 	snop  }
0x8d: {  	[tilespmem:s25], [sflag:$0x4] =	stream.indirect_vreg.gather [hbm4b:s6+s3], $0x80, v2, vm0, $0xb8;
	[tilespmem:$0x12000] =	vst v63  }
0x8e: {  	_ = 	snop  }
0x8f: {  	[tilespmem:s26], [sflag:$0x4] =	stream.indirect_vreg.gather [hbm4b:s7+s3], $0x80, v2, vm0, $0xb8;
	[tilespmem:$0x12000] =	vst v63  }
0x90: {  	_ = 	snop  }
0x91: {  	[tilespmem:s28], [sflag:$0x4] =	stream.indirect_vreg.gather [hbm4b:s8+s3], $0x80, v2, vm0, $0xb8;
	[tilespmem:$0x12000] =	vst v63  }
0x92: {  	_ = 	snop  }
0x93: {  	[tilespmem:s29], [sflag:$0x4] =	stream.indirect_vreg.gather [hbm4b:s9+s3], $0x80, v2, vm0, $0xb8;
	[tilespmem:$0x12000] =	vst v63  }
0x94: {  	_ = 	snop  }
0x95: {  	[tilespmem:s30], [sflag:$0x4] =	stream.indirect_vreg.gather [hbm4b:s10+s3], $0x80, v2, vm0, $0xb8;
	[tilespmem:$0x12000] =	vst v63  }
0x96: {  	p0 =	seq.s32 s18, $0x1E000  }
0x97: {  	[tilespmem:s31], [sflag:$0x4] =	stream.indirect_vreg.gather [hbm4b:s11+s3], $0x80, v2, vm0, $0xb8;
	[tilespmem:$0x12000] =	vst v63  }
.Ltmp4:
0x98: {  	_ = 	snop;
	(pc) =	sbr.rel @p0 .LBB2_4-.Ltmp4, $4  }
0x99: {  	_ =	swait.ge [sflag:s0], $0x4000  }
0x9a: {  	[sflag:s0] =	ssyncset.done $0x0  }
0x9b: {  	s20 =	sadd.s32 $0x800, s19;
	[sflag:s0] =	ssyncadd.s32 $0xFFFFC000  }
0x9c: {  	[hbm4b:s20+s3] =	stream.linear.scatter [tilespmem:s24], [sflag:$0x6], $0x4000, $0x38;
	[tilespmem:$0x12000] =	vst v63  }
0x9d: {  	_ =	swait.ge [sflag:s13], $0x4000  }
0x9e: {  	[sflag:s13] =	ssyncset.done $0x0  }
0x9f: {  	[sflag:s13] =	ssyncadd.s32 $0xFFFFC000  }
0xa0: {  	v2 =	vld.msk [tilespmem:s17+$0x80], $0xff;
	_ =	sdelay $0x4  }
0xa1: {  	v3 =	vshll.u32 v2, $0x4  }
0xa2: {  	v2 =	vand.u32 $0x7, v2;
	v3 =	vand.u32 $0xFFFFFF80, v3  }
0xa3: {  	v2 =	vor.u32 v2, v3  }
0xa4: {  	v2 =	vperm.xlane v2, v0;
	_ =	sdelay $0x1  }
0xa5: {  	v2 =	vadd.s32 v1, v2;
	_ =	sdelay $0x4  }
0xa6: {  	[tilespmem:s16], [sflag:$0x1] =	stream.indirect_vreg.gather [hbm4b:s1+s3], $0x80, v2, vm0, $0xb8;
	[tilespmem:$0x12000] =	vst v63  }
0xa7: {  	s20 =	simm.s32 $0x2800  }
0xa8: {  	[tilespmem:s20], [sflag:$0x1] =	stream.indirect_vreg.gather [hbm4b:s5+s3], $0x80, v2, vm0, $0xb8;
	[tilespmem:$0x12000] =	vst v63  }
0xa9: {  	s20 =	simm.s32 $0x3000  }
0xaa: {  	[tilespmem:s20], [sflag:$0x1] =	stream.indirect_vreg.gather [hbm4b:s6+s3], $0x80, v2, vm0, $0xb8;
	[tilespmem:$0x12000] =	vst v63  }
0xab: {  	s20 =	simm.s32 $0x3800  }
0xac: {  	[tilespmem:s20], [sflag:$0x1] =	stream.indirect_vreg.gather [hbm4b:s7+s3], $0x80, v2, vm0, $0xb8;
	[tilespmem:$0x12000] =	vst v63  }
0xad: {  	s20 =	simm.s32 $0x4000  }
0xae: {  	[tilespmem:s20], [sflag:$0x1] =	stream.indirect_vreg.gather [hbm4b:s8+s3], $0x80, v2, vm0, $0xb8;
	[tilespmem:$0x12000] =	vst v63  }
0xaf: {  	s20 =	simm.s32 $0x4800  }
0xb0: {  	[tilespmem:s20], [sflag:$0x1] =	stream.indirect_vreg.gather [hbm4b:s9+s3], $0x80, v2, vm0, $0xb8;
	[tilespmem:$0x12000] =	vst v63  }
0xb1: {  	s20 =	simm.s32 $0x5000  }
0xb2: {  	[tilespmem:s20], [sflag:$0x1] =	stream.indirect_vreg.gather [hbm4b:s10+s3], $0x80, v2, vm0, $0xb8;
	[tilespmem:$0x12000] =	vst v63  }
0xb3: {  	s20 =	simm.s32 $0x5800  }
0xb4: {  	[tilespmem:s20], [sflag:$0x1] =	stream.indirect_vreg.gather [hbm4b:s11+s3], $0x80, v2, vm0, $0xb8;
	[tilespmem:$0x12000] =	vst v63  }
0xb5: {  	_ =	swait.ge [sflag:s12], $0x4000  }
0xb6: {  	[sflag:s12] =	ssyncset.done $0x0  }
0xb7: {  	s20 =	sadd.s32 $0x1000, s19;
	[sflag:s12] =	ssyncadd.s32 $0xFFFFC000  }
0xb8: {  	[hbm4b:s20+s3] =	stream.linear.scatter [tilespmem:s2], [sflag:$0x7], $0x4000, $0x38;
	[tilespmem:$0x12000] =	vst v63  }
0xb9: {  	_ =	swait.ge [sflag:s15], $0x4000  }
0xba: {  	[sflag:s15] =	ssyncset.done $0x0  }
0xbb: {  	[sflag:s15] =	ssyncadd.s32 $0xFFFFC000  }
0xbc: {  	v2 =	vld.msk [tilespmem:s17+$0x100], $0xff;
	_ =	sdelay $0x4  }
0xbd: {  	v3 =	vshll.u32 v2, $0x4  }
0xbe: {  	v2 =	vand.u32 $0x7, v2;
	v3 =	vand.u32 $0xFFFFFF80, v3  }
0xbf: {  	v2 =	vor.u32 v2, v3  }
0xc0: {  	v2 =	vperm.xlane v2, v0;
	_ =	sdelay $0x1  }
0xc1: {  	v2 =	vadd.s32 v1, v2;
	_ =	sdelay $0x4  }
0xc2: {  	[tilespmem:s24], [sflag:$0x2] =	stream.indirect_vreg.gather [hbm4b:s1+s3], $0x80, v2, vm0, $0xb8;
	[tilespmem:$0x12000] =	vst v63  }
0xc3: {  	s20 =	simm.s32 $0x6800  }
0xc4: {  	[tilespmem:s20], [sflag:$0x2] =	stream.indirect_vreg.gather [hbm4b:s5+s3], $0x80, v2, vm0, $0xb8;
	[tilespmem:$0x12000] =	vst v63  }
0xc5: {  	s20 =	simm.s32 $0x7000  }
0xc6: {  	[tilespmem:s20], [sflag:$0x2] =	stream.indirect_vreg.gather [hbm4b:s6+s3], $0x80, v2, vm0, $0xb8;
	[tilespmem:$0x12000] =	vst v63  }
0xc7: {  	s20 =	simm.s32 $0x7800  }
0xc8: {  	[tilespmem:s20], [sflag:$0x2] =	stream.indirect_vreg.gather [hbm4b:s7+s3], $0x80, v2, vm0, $0xb8;
	[tilespmem:$0x12000] =	vst v63  }
0xc9: {  	s20 =	simm.s32 $0x8000  }
0xca: {  	[tilespmem:s20], [sflag:$0x2] =	stream.indirect_vreg.gather [hbm4b:s8+s3], $0x80, v2, vm0, $0xb8;
	[tilespmem:$0x12000] =	vst v63  }
0xcb: {  	s20 =	simm.s32 $0x8800  }
0xcc: {  	[tilespmem:s20], [sflag:$0x2] =	stream.indirect_vreg.gather [hbm4b:s9+s3], $0x80, v2, vm0, $0xb8;
	[tilespmem:$0x12000] =	vst v63  }
.Ltmp5:
0xcd: {  	_ = 	snop;
	(pc) =	sbr.rel .LBB2_5-.Ltmp5, $4  }
0xce: {  	s20 =	simm.s32 $0x9000  }
0xcf: {  	[tilespmem:s20], [sflag:$0x2] =	stream.indirect_vreg.gather [hbm4b:s10+s3], $0x80, v2, vm0, $0xb8;
	[tilespmem:$0x12000] =	vst v63  }
0xd0: {  	s20 =	simm.s32 $0x9800  }
0xd1: {  	[tilespmem:s20], [sflag:$0x2] =	stream.indirect_vreg.gather [hbm4b:s11+s3], $0x80, v2, vm0, $0xb8;
	[tilespmem:$0x12000] =	vst v63  }
.LBB2_7:
0xd2: {  	_ =	sfence.sel $0x180000  }
0xd3: {  	[bflag:$0x0] =	sbarrier.arrive $0xFFFF  }
0xd4: {  	_ =	strace $0x90000047  }
0xd5: {  	s0 =	stileid.u32;
	[bflag:$0x2] =	sbarrier.arrive $0xFFFF  }
0xd6: {  	p0 =	sne.s32 s0, $0x0;
	s0 =	rddreg [dreg:$0x3]  }
0xd7: {  	s0 =	sadd.s32 @!p0 $0x100000, s0  }
0xd8: {  	[sflag:s0] =	ssyncadd.tile.s32 @!p0 $0x1;
	_ =	shalt  }
.Lfunc_end2:
_tile_overlayer_lowered:
.L_overlay_start_2:
0xd9: {  	(tag) =	ssettag $0x2  }
0xda: {  	s0 =	rddreg [dreg:$0x0];
	s2 =	stileid.u32  }
0xdb: {  	s1 =	rddreg [dreg:$0x1];
	p0 =	sne.s32 s2, $0x0  }
0xdc: {  	s3 =	rddreg [dreg:$0x2];
	[bflag:$0x3] =	sbarrier.arrive $0xFFFF;
	s2 =	simm.s32 @!p0 $0x1C09  }
0xdd: {  	[timem:s3], [sflag:s2] =	dma.local @!p0 [hbm:s0], s1  }
0xde: {  	s0 =	simm.s32 @!p0 $0x9  }
0xdf: {  	_ =	swait.ge @!p0 [sflag:s0], s1  }
0xe0: {  	s1 =	ssub.s32 @!p0 $0x0, s1;
	[sflag:s0] =	ssyncset.done @!p0 $0x0  }
0xe1: {  	[sflag:s0] =	ssyncadd.s32 @!p0 s1  }
0xe2: {  	[bflag:$0x3] =	sbarrier.arrive $0xFFFF  }
0xe3: {  	_ =	shalt  }

</sc_bundles>
